<compile_context>
chip_gen: v7x
topology: tpu7x:2x2x1
jax: 0.10.2.dev20260603
libtpu: 0.0.44.dev20260713+nightly
codegen_flags: <defaults>
</compile_context>

<pallas_src>
import jax
import jax.numpy as jnp
from jax import lax
from jax.experimental import pallas as pl
from jax.experimental.pallas import tpu as pltpu
from jax.experimental.pallas import tpu_sc as plsc

_N = 10000
_E = 160000
_D = 256
_H1 = 32
_H2 = 64
_OUT = 104
_P = 512

_NP = 10240
_DUMMY = _N
_NW = 32
_EC = 128
_EK = 40
_EP = _NW * _EK * _EC
_PC = 64
_PK = 5
_PP = 640
_F3 = 112
_RB = 1024
_NG = _NP // _RB

_mesh = plsc.VectorSubcoreMesh(core_axis_name="c", subcore_axis_name="s")


def _make_sc_pass(feat, n_out, n_chunks, chunk, mode):
    stripe = n_out // 16

    def body(table, src, dst, zeros, out, src_v, dst_v, rows_v, shared, sem):
        c = lax.axis_index("c")
        s = lax.axis_index("s")
        wid = c * 16 + s
        pltpu.sync_copy(zeros.at[pl.ds(s * stripe, stripe)],
                        shared.at[pl.ds(s * stripe, stripe)])
        pltpu.sync_copy(dst.at[wid], dst_v)
        if mode == "gather":
            pltpu.sync_copy(src.at[wid], src_v)
        if mode == "const":
            pltpu.sync_copy(table, rows_v)
        plsc.subcore_barrier()

        @pl.loop(0, n_chunks)
        def _(k):
            if mode == "gather":
                pltpu.async_copy(table.at[src_v.at[k]], rows_v, sem).wait()
            elif mode == "linear":
                base = (wid * n_chunks + k) * chunk
                pltpu.async_copy(table.at[pl.ds(base, chunk)], rows_v, sem).wait()
            pltpu.sync_copy(rows_v, shared.at[dst_v.at[k]], add=True)

        plsc.subcore_barrier()
        pltpu.sync_copy(shared.at[pl.ds(s * stripe, stripe)],
                        out.at[c, pl.ds(s * stripe, stripe)])

    return pl.kernel(
        body,
        out_type=jax.ShapeDtypeStruct((2, n_out, feat), jnp.float32),
        mesh=_mesh,
        compiler_params=pltpu.CompilerParams(use_tc_tiling_on_sc=False),
        scratch_types=[
            pltpu.VMEM((n_chunks, chunk), jnp.int32),
            pltpu.VMEM((n_chunks, chunk), jnp.int32),
            pltpu.VMEM((chunk, feat), jnp.float32),
            pltpu.VMEM_SHARED((n_out, feat), jnp.float32),
            pltpu.SemaphoreType.DMA,
        ],
    )


_sc_deg = _make_sc_pass(16, _NP, _EK, _EC, "const")
_sc_edge32 = _make_sc_pass(_H1, _NP, _EK, _EC, "gather")
_sc_edge64 = _make_sc_pass(_H2, _NP, _EK, _EC, "gather")
_sc_pool = _make_sc_pass(_H2, _PP, _PK, _PC, "linear")


def _tc_mm0(x, w):
    def body(x_ref, w_ref, o_ref):
        o_ref[...] = jnp.dot(x_ref[...], w_ref[...],
                             preferred_element_type=jnp.float32)

    return pl.pallas_call(
        body, grid=(_NG,),
        in_specs=[pl.BlockSpec((_RB, _D), lambda i: (i, 0)),
                  pl.BlockSpec((_D, _H1), lambda i: (0, 0))],
        out_specs=pl.BlockSpec((_RB, _H1), lambda i: (i, 0)),
        out_shape=jax.ShapeDtypeStruct((_NP, _H1), jnp.float32),
    )(x, w)


def _tc_scale0(degp, hw1):
    def body(degp_ref, hw_ref, dinv_ref, h1_ref):
        i = pl.program_id(0)
        deg = degp_ref[0, :, 0:1] + degp_ref[1, :, 0:1] + 1.0
        rows = i * _RB + lax.broadcasted_iota(jnp.int32, (_RB, 1), 0)
        dinv = jnp.where(rows < _N, 1.0 / jnp.sqrt(deg), 0.0)
        dinv_ref[...] = dinv
        h1_ref[...] = hw_ref[...] * dinv

    return pl.pallas_call(
        body, grid=(_NG,),
        in_specs=[pl.BlockSpec((2, _RB, 16), lambda i: (0, i, 0)),
                  pl.BlockSpec((_RB, _H1), lambda i: (i, 0))],
        out_specs=[pl.BlockSpec((_RB, 1), lambda i: (i, 0)),
                   pl.BlockSpec((_RB, _H1), lambda i: (i, 0))],
        out_shape=[jax.ShapeDtypeStruct((_NP, 1), jnp.float32),
                   jax.ShapeDtypeStruct((_NP, _H1), jnp.float32)],
    )(degp, hw1)


def _tc_elw1(sp, hp, dinv):
    def body(sp_ref, hp_ref, dinv_ref, o_ref):
        dv = dinv_ref[...]
        a = jnp.maximum((sp_ref[0] + sp_ref[1] + hp_ref[...]) * dv, 0.0)
        o_ref[...] = a * dv

    return pl.pallas_call(
        body, grid=(_NG,),
        in_specs=[pl.BlockSpec((2, _RB, _H1), lambda i: (0, i, 0)),
                  pl.BlockSpec((_RB, _H1), lambda i: (i, 0)),
                  pl.BlockSpec((_RB, 1), lambda i: (i, 0))],
        out_specs=pl.BlockSpec((_RB, _H1), lambda i: (i, 0)),
        out_shape=jax.ShapeDtypeStruct((_NP, _H1), jnp.float32),
    )(sp, hp, dinv)


def _tc_mm2(sp, hp, dinv, w):
    def body(sp_ref, hp_ref, dinv_ref, w_ref, o_ref):
        dv = dinv_ref[...]
        agg = (sp_ref[0] + sp_ref[1] + hp_ref[...]) * dv
        a = jnp.maximum(jnp.dot(agg, w_ref[...],
                                preferred_element_type=jnp.float32), 0.0)
        o_ref[...] = a * dv

    return pl.pallas_call(
        body, grid=(_NG,),
        in_specs=[pl.BlockSpec((2, _RB, _H1), lambda i: (0, i, 0)),
                  pl.BlockSpec((_RB, _H1), lambda i: (i, 0)),
                  pl.BlockSpec((_RB, 1), lambda i: (i, 0)),
                  pl.BlockSpec((_H1, _H2), lambda i: (0, 0))],
        out_specs=pl.BlockSpec((_RB, _H2), lambda i: (i, 0)),
        out_shape=jax.ShapeDtypeStruct((_NP, _H2), jnp.float32),
    )(sp, hp, dinv, w)


def _tc_z(sp, hp, dinv):
    def body(sp_ref, hp_ref, dinv_ref, o_ref):
        o_ref[...] = (sp_ref[0] + sp_ref[1] + hp_ref[...]) * dinv_ref[...]

    return pl.pallas_call(
        body, grid=(_NG,),
        in_specs=[pl.BlockSpec((2, _RB, _H2), lambda i: (0, i, 0)),
                  pl.BlockSpec((_RB, _H2), lambda i: (i, 0)),
                  pl.BlockSpec((_RB, 1), lambda i: (i, 0))],
        out_specs=pl.BlockSpec((_RB, _H2), lambda i: (i, 0)),
        out_shape=jax.ShapeDtypeStruct((_NP, _H2), jnp.float32),
    )(sp, hp, dinv)


def _tc_pool_mm(pp, w3):
    def body(pp_ref, w_ref, o_ref):
        q = pp_ref[0, :_P, :] + pp_ref[1, :_P, :]
        o_ref[...] = jnp.dot(q, w_ref[...], preferred_element_type=jnp.float32)

    return pl.pallas_call(
        body,
        out_shape=jax.ShapeDtypeStruct((_P, _OUT), jnp.float32),
    )(pp, w3)


def kernel(x, edge_index, pool_ids, W1, W2, W3):
    src = edge_index[0]
    dst = edge_index[1]
    epad = jnp.full((_EP - _E,), _DUMMY, jnp.int32)
    src_p = jnp.concatenate([src, epad]).reshape(_NW, _EK, _EC)
    dst_p = jnp.concatenate([dst, epad]).reshape(_NW, _EK, _EC)
    x_p = jnp.pad(x, ((0, _NP - _N), (0, 0)))
    pool_p = jnp.concatenate(
        [pool_ids, jnp.full((_NP - _N,), _P, jnp.int32)]).reshape(_NW, _PK, _PC)
    ones_rows = jnp.ones((_EC, 16), jnp.float32)
    z16 = jnp.zeros((_NP, 16), jnp.float32)
    z32 = jnp.zeros((_NP, _H1), jnp.float32)
    z64 = jnp.zeros((_NP, _H2), jnp.float32)
    zpool = jnp.zeros((_PP, _H2), jnp.float32)

    degp = _sc_deg(ones_rows, dst_p, dst_p, z16)
    hw1 = _tc_mm0(x_p, W1)
    dinv, h1p = _tc_scale0(degp, hw1)
    s1 = _sc_edge32(h1p, src_p, dst_p, z32)
    a1pp = _tc_elw1(s1, h1p, dinv)
    s2 = _sc_edge32(a1pp, src_p, dst_p, z32)
    a2pp = _tc_mm2(s2, a1pp, dinv, W2)
    s3 = _sc_edge64(a2pp, src_p, dst_p, z64)
    z = _tc_z(s3, a2pp, dinv)
    poolp = _sc_pool(z, pool_p, pool_p, zpool)
    return _tc_pool_mm(poolp, W3)

# --- scband reference (transcript-rebuilt; emitter-appended) ---
"""Pipeline reference for scband-gcn-46351287058647 (READ-ONLY COPY).

The authoritative reference and input builder live on the scoring server;
editing this copy changes nothing except your own understanding.
"""

import jax, jax.numpy as jnp
import numpy as np

N = 10000
E = 160000
D = 256
H1 = 32
H2 = 64
OUT = 104
P = 512


def _glorot(key, shape):
    lim = np.sqrt(6.0 / (shape[0] + shape[1]))
    return jax.random.uniform(key, shape, jnp.float32, -lim, lim)


def setup_inputs(seed: int = 0) -> dict:
    key = jax.random.key(seed)
    ks = jax.random.split(key, 6)
    x = jax.random.normal(ks[0], (N, D), dtype=jnp.float32)
    edge_index = jax.random.randint(ks[1], (2, E), 0, N, dtype=jnp.int32)
    pool_ids = jnp.sort(jax.random.randint(ks[2], (N,), 0, P, dtype=jnp.int32))
    W1 = _glorot(ks[3], (D, H1))
    W2 = _glorot(ks[4], (H1, H2))
    W3 = _glorot(ks[5], (H2, OUT))
    return {"x": x, "edge_index": edge_index, "pool_ids": pool_ids, "W1": W1, "W2": W2, "W3": W3}


def _norm_adj(edge_index, n):
    # Kipf GCN normalization: D^{-1/2} (A + I) D^{-1/2}, represented edge-wise
    self_loops = jnp.arange(n, dtype=edge_index.dtype)
    src = jnp.concatenate([edge_index[0], self_loops])
    dst = jnp.concatenate([edge_index[1], self_loops])
    deg = jnp.zeros((n,), jnp.float32).at[dst].add(1.0)
    dinv = jnp.where(deg > 0, 1.0 / jnp.sqrt(deg), 0.0)
    w = dinv[src] * dinv[dst]
    return src, dst, w


def _gconv(x, W, src, dst, w, n, act):
    # GraphConvolution: support @ (x @ W), then activation
    h = x @ W
    msg = jnp.take(h, src, axis=0) * w[:, None]
    agg = jnp.zeros((n, W.shape[1]), jnp.float32).at[dst].add(msg)
    return act(agg)


def reference(x, edge_index, pool_ids, W1, W2, W3):
    n = x.shape[0]
    src, dst, w = _norm_adj(edge_index, n)
    h1 = _gconv(x, W1, src, dst, w, n, jax.nn.relu)
    h2 = _gconv(h1, W2, src, dst, w, n, jax.nn.relu)
    h3 = _gconv(h2, W3, src, dst, w, n, lambda v: v)
    # outputs = pooling_matrix (sparse) @ node outputs -> segment-sum pooling
    out = jax.ops.segment_sum(h3, pool_ids, num_segments=P)
    return out

if __name__ == "__main__":
    import jax
    _d = setup_inputs()
    print(jax.jit(kernel)(*tuple(_d.values())))

</pallas_src>

<mosaic_0001>
#map = affine_map<(d0, d1) -> (0, 0)>
#map1 = affine_map<(d0, d1) -> (0, 0, 0)>
module attributes {stable_mosaic.version = 14 : i64} {
  func.func @body(%arg0: i32, %arg1: i32, %arg2: memref<128x16xf32, #tpu.memory_space<hbm>>, %arg3: memref<32x40x128xi32, #tpu.memory_space<hbm>>, %arg4: memref<32x40x128xi32, #tpu.memory_space<hbm>>, %arg5: memref<10240x16xf32, #tpu.memory_space<hbm>>, %arg6: memref<2x10240x16xf32, #tpu.memory_space<hbm>>, %arg7: memref<40x128xi32, #tpu.memory_space<vmem>>, %arg8: memref<40x128xi32, #tpu.memory_space<vmem>>, %arg9: memref<128x16xf32, #tpu.memory_space<vmem>>, %arg10: memref<10240x16xf32, #tpu.memory_space<vmem_shared>>, %arg11: memref<!tpu.dma_semaphore, #tpu.memory_space<semaphore_mem>>) attributes {dimension_semantics = [#tpu.dimension_semantics<core_parallel>, #tpu.dimension_semantics<subcore_parallel>], iteration_bounds = array<i64: 2, 16>, scalar_prefetch = 0 : i64, scratch_operands = 5 : i64, tpu.core_type = #tpu.core_type<sc_vector_subcore>, window_params = [{transform_indices = #map}, {transform_indices = #map1}, {transform_indices = #map1}, {transform_indices = #map}, {transform_indices = #map1}]} {
    %mul3A = arith.constant 16 : i32
    %mul3A_0 = arith.muli %arg0, %mul3A : i32
    %add3A = arith.addi %mul3A_0, %arg1 : i32
    %mul3A_1 = arith.constant 640 : i32
    %mul3A_2 = arith.muli %arg1, %mul3A_1 : i32
    %mul3A_3 = arith.constant 640 : i32
    %mul3A_4 = arith.muli %arg1, %mul3A_3 : i32
    "tpu.region"() ({
      %run_scoped3A = tpu.sem_alloc : memref<!tpu.dma_semaphore, #tpu.memory_space<semaphore_mem>>
      %dma_start3A = arith.constant 0 : i32
      %dma_start3A_14 = tpu.memref_slice %arg10[%mul3A_4, %dma_start3A] : memref<10240x16xf32, #tpu.memory_space<vmem_shared>> -> memref<640x16xf32, #tpu.memory_space<vmem_shared>>
      %dma_start3A_15 = arith.constant 0 : i32
      %dma_start3A_16 = tpu.memref_slice %arg5[%mul3A_2, %dma_start3A_15] : memref<10240x16xf32, #tpu.memory_space<hbm>> -> memref<640x16xf32, #tpu.memory_space<hbm>>
      tpu.enqueue_dma source(%dma_start3A_16 : memref<640x16xf32, #tpu.memory_space<hbm>>) target(%dma_start3A_14 : memref<640x16xf32, #tpu.memory_space<vmem_shared>>) target_semaphore(%run_scoped3A : memref<!tpu.dma_semaphore, #tpu.memory_space<semaphore_mem>>)
      %dma_wait3A = arith.constant 0 : i32
      %dma_wait3A_17 = tpu.memref_slice %arg10[%mul3A_4, %dma_wait3A] : memref<10240x16xf32, #tpu.memory_space<vmem_shared>> -> memref<640x16xf32, #tpu.memory_space<vmem_shared>>
      %dma_wait3A_18 = arith.constant 0 : i32
      %dma_wait3A_19 = tpu.memref_slice %arg5[%mul3A_2, %dma_wait3A_18] : memref<10240x16xf32, #tpu.memory_space<hbm>> -> memref<640x16xf32, #tpu.memory_space<hbm>>
      tpu.wait_dma2 semaphore(%run_scoped3A : memref<!tpu.dma_semaphore, #tpu.memory_space<semaphore_mem>>) src(%dma_wait3A_19 : memref<640x16xf32, #tpu.memory_space<hbm>>) dst(%dma_wait3A_17 : memref<640x16xf32, #tpu.memory_space<vmem_shared>>)
      tpu.yield
    }) : () -> ()
    "tpu.region"() ({
      %run_scoped3A = tpu.sem_alloc : memref<!tpu.dma_semaphore, #tpu.memory_space<semaphore_mem>>
      %dma_start3A = arith.constant 0 : i32
      %dma_start3A_14 = arith.constant 0 : i32
      %dma_start3A_15 = tpu.memref_slice %arg4[%add3A, %dma_start3A, %dma_start3A_14] : memref<32x40x128xi32, #tpu.memory_space<hbm>> -> memref<1x40x128xi32, #tpu.memory_space<hbm>>
      %dma_start3A_16 = tpu.memref_squeeze %dma_start3A_15 : memref<1x40x128xi32, #tpu.memory_space<hbm>> -> memref<40x128xi32, #tpu.memory_space<hbm>>
      %dma_start3A_17 = arith.constant 0 : i32
      %dma_start3A_18 = arith.constant 0 : i32
      %dma_start3A_19 = tpu.memref_slice %arg4[%add3A, %dma_start3A_17, %dma_start3A_18] : memref<32x40x128xi32, #tpu.memory_space<hbm>> -> memref<1x40x128xi32, #tpu.memory_space<hbm>>
      %dma_start3A_20 = tpu.memref_squeeze %dma_start3A_19 : memref<1x40x128xi32, #tpu.memory_space<hbm>> -> memref<40x128xi32, #tpu.memory_space<hbm>>
      tpu.enqueue_dma source(%dma_start3A_20 : memref<40x128xi32, #tpu.memory_space<hbm>>) target(%arg8 : memref<40x128xi32, #tpu.memory_space<vmem>>) target_semaphore(%run_scoped3A : memref<!tpu.dma_semaphore, #tpu.memory_space<semaphore_mem>>)
      %dma_wait3A = arith.constant 0 : i32
      %dma_wait3A_21 = arith.constant 0 : i32
      %dma_wait3A_22 = tpu.memref_slice %arg4[%add3A, %dma_wait3A, %dma_wait3A_21] : memref<32x40x128xi32, #tpu.memory_space<hbm>> -> memref<1x40x128xi32, #tpu.memory_space<hbm>>
      %dma_wait3A_23 = tpu.memref_squeeze %dma_wait3A_22 : memref<1x40x128xi32, #tpu.memory_space<hbm>> -> memref<40x128xi32, #tpu.memory_space<hbm>>
      %dma_wait3A_24 = arith.constant 0 : i32
      %dma_wait3A_25 = arith.constant 0 : i32
      %dma_wait3A_26 = tpu.memref_slice %arg4[%add3A, %dma_wait3A_24, %dma_wait3A_25] : memref<32x40x128xi32, #tpu.memory_space<hbm>> -> memref<1x40x128xi32, #tpu.memory_space<hbm>>
      %dma_wait3A_27 = tpu.memref_squeeze %dma_wait3A_26 : memref<1x40x128xi32, #tpu.memory_space<hbm>> -> memref<40x128xi32, #tpu.memory_space<hbm>>
      tpu.wait_dma2 semaphore(%run_scoped3A : memref<!tpu.dma_semaphore, #tpu.memory_space<semaphore_mem>>) src(%dma_wait3A_27 : memref<40x128xi32, #tpu.memory_space<hbm>>) dst(%arg8 : memref<40x128xi32, #tpu.memory_space<vmem>>)
      tpu.yield
    }) : () -> ()
    "tpu.region"() ({
      %run_scoped3A = tpu.sem_alloc : memref<!tpu.dma_semaphore, #tpu.memory_space<semaphore_mem>>
      tpu.enqueue_dma source(%arg2 : memref<128x16xf32, #tpu.memory_space<hbm>>) target(%arg9 : memref<128x16xf32, #tpu.memory_space<vmem>>) target_semaphore(%run_scoped3A : memref<!tpu.dma_semaphore, #tpu.memory_space<semaphore_mem>>)
      tpu.wait_dma2 semaphore(%run_scoped3A : memref<!tpu.dma_semaphore, #tpu.memory_space<semaphore_mem>>) src(%arg2 : memref<128x16xf32, #tpu.memory_space<hbm>>) dst(%arg9 : memref<128x16xf32, #tpu.memory_space<vmem>>)
      tpu.yield
    }) : () -> ()
    %barrier3A = arith.constant 0 : index
    tpu.barrier barrier_id(%barrier3A)
    %scan3A = arith.constant 0 : i32
    %scan3A_5 = arith.constant 40 : i32
    %scan3A_6 = arith.addi %scan3A, %scan3A_5 : i32
    %scan3A_7 = arith.constant 1 : i32
    scf.for %scan3A_14 = %scan3A to %scan3A_6 step %scan3A_7  : i32 {
      %mul3A_15 = arith.constant 1 : i32
      %mul3A_16 = arith.muli %scan3A_14, %mul3A_15 : i32
      %add3A_17 = arith.constant 0 : i32
      %add3A_18 = arith.addi %add3A_17, %mul3A_16 : i32
      "tpu.region"() ({
        %run_scoped3A = tpu.sem_alloc : memref<!tpu.dma_semaphore, #tpu.memory_space<semaphore_mem>>
        %dma_start3A = arith.constant 0 : i32
        %dma_start3A_19 = tpu.memref_slice %arg8[%add3A_18, %dma_start3A] : memref<40x128xi32, #tpu.memory_space<vmem>> -> memref<1x128xi32, #tpu.memory_space<vmem>>
        %dma_start3A_20 = tpu.memref_squeeze %dma_start3A_19 : memref<1x128xi32, #tpu.memory_space<vmem>> -> memref<128xi32, #tpu.memory_space<vmem>>
        %dma_start3A_21 = arith.constant 0 : i32
        %dma_start3A_22 = arith.constant 0 : i32
        %dma_start3A_23 = tpu.memref_slice %arg10[%dma_start3A_21, %dma_start3A_22] : memref<10240x16xf32, #tpu.memory_space<vmem_shared>> -> memref<10240x16xf32, #tpu.memory_space<vmem_shared>>
        tpu.enqueue_indirect_dma source(%arg9 : memref<128x16xf32, #tpu.memory_space<vmem>>) target(%dma_start3A_23 : memref<10240x16xf32, #tpu.memory_space<vmem_shared>>) offsets(%dma_start3A_20 : memref<128xi32, #tpu.memory_space<vmem>>) semaphore(%run_scoped3A : memref<!tpu.dma_semaphore, #tpu.memory_space<semaphore_mem>>) {add = true}
        %dma_wait3A = arith.constant 0 : i32
        %dma_wait3A_24 = tpu.memref_slice %arg8[%add3A_18, %dma_wait3A] : memref<40x128xi32, #tpu.memory_space<vmem>> -> memref<1x128xi32, #tpu.memory_space<vmem>>
        %dma_wait3A_25 = tpu.memref_squeeze %dma_wait3A_24 : memref<1x128xi32, #tpu.memory_space<vmem>> -> memref<128xi32, #tpu.memory_space<vmem>>
        %dma_wait3A_26 = arith.constant 0 : i32
        %dma_wait3A_27 = arith.constant 0 : i32
        %dma_wait3A_28 = tpu.memref_slice %arg10[%dma_wait3A_26, %dma_wait3A_27] : memref<10240x16xf32, #tpu.memory_space<vmem_shared>> -> memref<10240x16xf32, #tpu.memory_space<vmem_shared>>
        tpu.wait_indirect_dma semaphore(%run_scoped3A : memref<!tpu.dma_semaphore, #tpu.memory_space<semaphore_mem>>) src(%arg9 : memref<128x16xf32, #tpu.memory_space<vmem>>) dst(%dma_wait3A_28 : memref<10240x16xf32, #tpu.memory_space<vmem_shared>>)
        tpu.yield
      }) : () -> ()
    }
    %scan3A_8 = arith.constant 40 : i32
    %barrier3A_9 = arith.constant 0 : index
    tpu.barrier barrier_id(%barrier3A_9)
    %mul3A_10 = arith.constant 640 : i32
    %mul3A_11 = arith.muli %arg1, %mul3A_10 : i32
    %mul3A_12 = arith.constant 640 : i32
    %mul3A_13 = arith.muli %arg1, %mul3A_12 : i32
    "tpu.region"() ({
      %run_scoped3A = tpu.sem_alloc : memref<!tpu.dma_semaphore, #tpu.memory_space<semaphore_mem>>
      %dma_start3A = arith.constant 0 : i32
      %dma_start3A_14 = tpu.memref_slice %arg6[%arg0, %mul3A_13, %dma_start3A] : memref<2x10240x16xf32, #tpu.memory_space<hbm>> -> memref<1x640x16xf32, #tpu.memory_space<hbm>>
      %dma_start3A_15 = tpu.memref_squeeze %dma_start3A_14 : memref<1x640x16xf32, #tpu.memory_space<hbm>> -> memref<640x16xf32, #tpu.memory_space<hbm>>
      %dma_start3A_16 = arith.constant 0 : i32
      %dma_start3A_17 = tpu.memref_slice %arg10[%mul3A_11, %dma_start3A_16] : memref<10240x16xf32, #tpu.memory_space<vmem_shared>> -> memref<640x16xf32, #tpu.memory_space<vmem_shared>>
      tpu.enqueue_dma source(%dma_start3A_17 : memref<640x16xf32, #tpu.memory_space<vmem_shared>>) target(%dma_start3A_15 : memref<640x16xf32, #tpu.memory_space<hbm>>) target_semaphore(%run_scoped3A : memref<!tpu.dma_semaphore, #tpu.memory_space<semaphore_mem>>)
      %dma_wait3A = arith.constant 0 : i32
      %dma_wait3A_18 = tpu.memref_slice %arg6[%arg0, %mul3A_13, %dma_wait3A] : memref<2x10240x16xf32, #tpu.memory_space<hbm>> -> memref<1x640x16xf32, #tpu.memory_space<hbm>>
      %dma_wait3A_19 = tpu.memref_squeeze %dma_wait3A_18 : memref<1x640x16xf32, #tpu.memory_space<hbm>> -> memref<640x16xf32, #tpu.memory_space<hbm>>
      %dma_wait3A_20 = arith.constant 0 : i32
      %dma_wait3A_21 = tpu.memref_slice %arg10[%mul3A_11, %dma_wait3A_20] : memref<10240x16xf32, #tpu.memory_space<vmem_shared>> -> memref<640x16xf32, #tpu.memory_space<vmem_shared>>
      tpu.wait_dma2 semaphore(%run_scoped3A : memref<!tpu.dma_semaphore, #tpu.memory_space<semaphore_mem>>) src(%dma_wait3A_21 : memref<640x16xf32, #tpu.memory_space<vmem_shared>>) dst(%dma_wait3A_19 : memref<640x16xf32, #tpu.memory_space<hbm>>)
      tpu.yield
    }) : () -> ()
    return
  }
}

#map = affine_map<(d0, d1) -> (0, 0)>
#map1 = affine_map<(d0, d1) -> (0, 0, 0)>
module attributes {stable_mosaic.version = 14 : i64} {
  func.func @body(%arg0: i32, %arg1: i32, %arg2: memref<10240x64xf32, #tpu.memory_space<hbm>>, %arg3: memref<32x40x128xi32, #tpu.memory_space<hbm>>, %arg4: memref<32x40x128xi32, #tpu.memory_space<hbm>>, %arg5: memref<10240x64xf32, #tpu.memory_space<hbm>>, %arg6: memref<2x10240x64xf32, #tpu.memory_space<hbm>>, %arg7: memref<40x128xi32, #tpu.memory_space<vmem>>, %arg8: memref<40x128xi32, #tpu.memory_space<vmem>>, %arg9: memref<128x64xf32, #tpu.memory_space<vmem>>, %arg10: memref<10240x64xf32, #tpu.memory_space<vmem_shared>>, %arg11: memref<!tpu.dma_semaphore, #tpu.memory_space<semaphore_mem>>) attributes {dimension_semantics = [#tpu.dimension_semantics<core_parallel>, #tpu.dimension_semantics<subcore_parallel>], iteration_bounds = array<i64: 2, 16>, scalar_prefetch = 0 : i64, scratch_operands = 5 : i64, tpu.core_type = #tpu.core_type<sc_vector_subcore>, window_params = [{transform_indices = #map}, {transform_indices = #map1}, {transform_indices = #map1}, {transform_indices = #map}, {transform_indices = #map1}]} {
    %mul3A = arith.constant 16 : i32
    %mul3A_0 = arith.muli %arg0, %mul3A : i32
    %add3A = arith.addi %mul3A_0, %arg1 : i32
    %mul3A_1 = arith.constant 640 : i32
    %mul3A_2 = arith.muli %arg1, %mul3A_1 : i32
    %mul3A_3 = arith.constant 640 : i32
    %mul3A_4 = arith.muli %arg1, %mul3A_3 : i32
    "tpu.region"() ({
      %run_scoped3A = tpu.sem_alloc : memref<!tpu.dma_semaphore, #tpu.memory_space<semaphore_mem>>
      %dma_start3A = arith.constant 0 : i32
      %dma_start3A_14 = tpu.memref_slice %arg10[%mul3A_4, %dma_start3A] : memref<10240x64xf32, #tpu.memory_space<vmem_shared>> -> memref<640x64xf32, #tpu.memory_space<vmem_shared>>
      %dma_start3A_15 = arith.constant 0 : i32
      %dma_start3A_16 = tpu.memref_slice %arg5[%mul3A_2, %dma_start3A_15] : memref<10240x64xf32, #tpu.memory_space<hbm>> -> memref<640x64xf32, #tpu.memory_space<hbm>>
      tpu.enqueue_dma source(%dma_start3A_16 : memref<640x64xf32, #tpu.memory_space<hbm>>) target(%dma_start3A_14 : memref<640x64xf32, #tpu.memory_space<vmem_shared>>) target_semaphore(%run_scoped3A : memref<!tpu.dma_semaphore, #tpu.memory_space<semaphore_mem>>)
      %dma_wait3A = arith.constant 0 : i32
      %dma_wait3A_17 = tpu.memref_slice %arg10[%mul3A_4, %dma_wait3A] : memref<10240x64xf32, #tpu.memory_space<vmem_shared>> -> memref<640x64xf32, #tpu.memory_space<vmem_shared>>
      %dma_wait3A_18 = arith.constant 0 : i32
      %dma_wait3A_19 = tpu.memref_slice %arg5[%mul3A_2, %dma_wait3A_18] : memref<10240x64xf32, #tpu.memory_space<hbm>> -> memref<640x64xf32, #tpu.memory_space<hbm>>
      tpu.wait_dma2 semaphore(%run_scoped3A : memref<!tpu.dma_semaphore, #tpu.memory_space<semaphore_mem>>) src(%dma_wait3A_19 : memref<640x64xf32, #tpu.memory_space<hbm>>) dst(%dma_wait3A_17 : memref<640x64xf32, #tpu.memory_space<vmem_shared>>)
      tpu.yield
    }) : () -> ()
    "tpu.region"() ({
      %run_scoped3A = tpu.sem_alloc : memref<!tpu.dma_semaphore, #tpu.memory_space<semaphore_mem>>
      %dma_start3A = arith.constant 0 : i32
      %dma_start3A_14 = arith.constant 0 : i32
      %dma_start3A_15 = tpu.memref_slice %arg4[%add3A, %dma_start3A, %dma_start3A_14] : memref<32x40x128xi32, #tpu.memory_space<hbm>> -> memref<1x40x128xi32, #tpu.memory_space<hbm>>
      %dma_start3A_16 = tpu.memref_squeeze %dma_start3A_15 : memref<1x40x128xi32, #tpu.memory_space<hbm>> -> memref<40x128xi32, #tpu.memory_space<hbm>>
      %dma_start3A_17 = arith.constant 0 : i32
      %dma_start3A_18 = arith.constant 0 : i32
      %dma_start3A_19 = tpu.memref_slice %arg4[%add3A, %dma_start3A_17, %dma_start3A_18] : memref<32x40x128xi32, #tpu.memory_space<hbm>> -> memref<1x40x128xi32, #tpu.memory_space<hbm>>
      %dma_start3A_20 = tpu.memref_squeeze %dma_start3A_19 : memref<1x40x128xi32, #tpu.memory_space<hbm>> -> memref<40x128xi32, #tpu.memory_space<hbm>>
      tpu.enqueue_dma source(%dma_start3A_20 : memref<40x128xi32, #tpu.memory_space<hbm>>) target(%arg8 : memref<40x128xi32, #tpu.memory_space<vmem>>) target_semaphore(%run_scoped3A : memref<!tpu.dma_semaphore, #tpu.memory_space<semaphore_mem>>)
      %dma_wait3A = arith.constant 0 : i32
      %dma_wait3A_21 = arith.constant 0 : i32
      %dma_wait3A_22 = tpu.memref_slice %arg4[%add3A, %dma_wait3A, %dma_wait3A_21] : memref<32x40x128xi32, #tpu.memory_space<hbm>> -> memref<1x40x128xi32, #tpu.memory_space<hbm>>
      %dma_wait3A_23 = tpu.memref_squeeze %dma_wait3A_22 : memref<1x40x128xi32, #tpu.memory_space<hbm>> -> memref<40x128xi32, #tpu.memory_space<hbm>>
      %dma_wait3A_24 = arith.constant 0 : i32
      %dma_wait3A_25 = arith.constant 0 : i32
      %dma_wait3A_26 = tpu.memref_slice %arg4[%add3A, %dma_wait3A_24, %dma_wait3A_25] : memref<32x40x128xi32, #tpu.memory_space<hbm>> -> memref<1x40x128xi32, #tpu.memory_space<hbm>>
      %dma_wait3A_27 = tpu.memref_squeeze %dma_wait3A_26 : memref<1x40x128xi32, #tpu.memory_space<hbm>> -> memref<40x128xi32, #tpu.memory_space<hbm>>
      tpu.wait_dma2 semaphore(%run_scoped3A : memref<!tpu.dma_semaphore, #tpu.memory_space<semaphore_mem>>) src(%dma_wait3A_27 : memref<40x128xi32, #tpu.memory_space<hbm>>) dst(%arg8 : memref<40x128xi32, #tpu.memory_space<vmem>>)
      tpu.yield
    }) : () -> ()
    "tpu.region"() ({
      %run_scoped3A = tpu.sem_alloc : memref<!tpu.dma_semaphore, #tpu.memory_space<semaphore_mem>>
      %dma_start3A = arith.constant 0 : i32
      %dma_start3A_14 = arith.constant 0 : i32
      %dma_start3A_15 = tpu.memref_slice %arg3[%add3A, %dma_start3A, %dma_start3A_14] : memref<32x40x128xi32, #tpu.memory_space<hbm>> -> memref<1x40x128xi32, #tpu.memory_space<hbm>>
      %dma_start3A_16 = tpu.memref_squeeze %dma_start3A_15 : memref<1x40x128xi32, #tpu.memory_space<hbm>> -> memref<40x128xi32, #tpu.memory_space<hbm>>
      %dma_start3A_17 = arith.constant 0 : i32
      %dma_start3A_18 = arith.constant 0 : i32
      %dma_start3A_19 = tpu.memref_slice %arg3[%add3A, %dma_start3A_17, %dma_start3A_18] : memref<32x40x128xi32, #tpu.memory_space<hbm>> -> memref<1x40x128xi32, #tpu.memory_space<hbm>>
      %dma_start3A_20 = tpu.memref_squeeze %dma_start3A_19 : memref<1x40x128xi32, #tpu.memory_space<hbm>> -> memref<40x128xi32, #tpu.memory_space<hbm>>
      tpu.enqueue_dma source(%dma_start3A_20 : memref<40x128xi32, #tpu.memory_space<hbm>>) target(%arg7 : memref<40x128xi32, #tpu.memory_space<vmem>>) target_semaphore(%run_scoped3A : memref<!tpu.dma_semaphore, #tpu.memory_space<semaphore_mem>>)
      %dma_wait3A = arith.constant 0 : i32
      %dma_wait3A_21 = arith.constant 0 : i32
      %dma_wait3A_22 = tpu.memref_slice %arg3[%add3A, %dma_wait3A, %dma_wait3A_21] : memref<32x40x128xi32, #tpu.memory_space<hbm>> -> memref<1x40x128xi32, #tpu.memory_space<hbm>>
      %dma_wait3A_23 = tpu.memref_squeeze %dma_wait3A_22 : memref<1x40x128xi32, #tpu.memory_space<hbm>> -> memref<40x128xi32, #tpu.memory_space<hbm>>
      %dma_wait3A_24 = arith.constant 0 : i32
      %dma_wait3A_25 = arith.constant 0 : i32
      %dma_wait3A_26 = tpu.memref_slice %arg3[%add3A, %dma_wait3A_24, %dma_wait3A_25] : memref<32x40x128xi32, #tpu.memory_space<hbm>> -> memref<1x40x128xi32, #tpu.memory_space<hbm>>
      %dma_wait3A_27 = tpu.memref_squeeze %dma_wait3A_26 : memref<1x40x128xi32, #tpu.memory_space<hbm>> -> memref<40x128xi32, #tpu.memory_space<hbm>>
      tpu.wait_dma2 semaphore(%run_scoped3A : memref<!tpu.dma_semaphore, #tpu.memory_space<semaphore_mem>>) src(%dma_wait3A_27 : memref<40x128xi32, #tpu.memory_space<hbm>>) dst(%arg7 : memref<40x128xi32, #tpu.memory_space<vmem>>)
      tpu.yield
    }) : () -> ()
    %barrier3A = arith.constant 0 : index
    tpu.barrier barrier_id(%barrier3A)
    %scan3A = arith.constant 0 : i32
    %scan3A_5 = arith.constant 40 : i32
    %scan3A_6 = arith.addi %scan3A, %scan3A_5 : i32
    %scan3A_7 = arith.constant 1 : i32
    scf.for %scan3A_14 = %scan3A to %scan3A_6 step %scan3A_7  : i32 {
      %mul3A_15 = arith.constant 1 : i32
      %mul3A_16 = arith.muli %scan3A_14, %mul3A_15 : i32
      %add3A_17 = arith.constant 0 : i32
      %add3A_18 = arith.addi %add3A_17, %mul3A_16 : i32
      %dma_start3A = arith.constant 0 : i32
      %dma_start3A_19 = tpu.memref_slice %arg7[%add3A_18, %dma_start3A] : memref<40x128xi32, #tpu.memory_space<vmem>> -> memref<1x128xi32, #tpu.memory_space<vmem>>
      %dma_start3A_20 = tpu.memref_squeeze %dma_start3A_19 : memref<1x128xi32, #tpu.memory_space<vmem>> -> memref<128xi32, #tpu.memory_space<vmem>>
      %dma_start3A_21 = arith.constant 0 : i32
      %dma_start3A_22 = arith.constant 0 : i32
      %dma_start3A_23 = tpu.memref_slice %arg2[%dma_start3A_21, %dma_start3A_22] : memref<10240x64xf32, #tpu.memory_space<hbm>> -> memref<10240x64xf32, #tpu.memory_space<hbm>>
      tpu.enqueue_indirect_dma source(%dma_start3A_23 : memref<10240x64xf32, #tpu.memory_space<hbm>>) target(%arg9 : memref<128x64xf32, #tpu.memory_space<vmem>>) offsets(%dma_start3A_20 : memref<128xi32, #tpu.memory_space<vmem>>) semaphore(%arg11 : memref<!tpu.dma_semaphore, #tpu.memory_space<semaphore_mem>>)
      %dma_wait3A = arith.constant 0 : i32
      %dma_wait3A_24 = tpu.memref_slice %arg7[%add3A_18, %dma_wait3A] : memref<40x128xi32, #tpu.memory_space<vmem>> -> memref<1x128xi32, #tpu.memory_space<vmem>>
      %dma_wait3A_25 = tpu.memref_squeeze %dma_wait3A_24 : memref<1x128xi32, #tpu.memory_space<vmem>> -> memref<128xi32, #tpu.memory_space<vmem>>
      %dma_wait3A_26 = arith.constant 0 : i32
      %dma_wait3A_27 = arith.constant 0 : i32
      %dma_wait3A_28 = tpu.memref_slice %arg2[%dma_wait3A_26, %dma_wait3A_27] : memref<10240x64xf32, #tpu.memory_space<hbm>> -> memref<10240x64xf32, #tpu.memory_space<hbm>>
      tpu.wait_indirect_dma semaphore(%arg11 : memref<!tpu.dma_semaphore, #tpu.memory_space<semaphore_mem>>) src(%dma_wait3A_28 : memref<10240x64xf32, #tpu.memory_space<hbm>>) dst(%arg9 : memref<128x64xf32, #tpu.memory_space<vmem>>)
      "tpu.region"() ({
        %run_scoped3A = tpu.sem_alloc : memref<!tpu.dma_semaphore, #tpu.memory_space<semaphore_mem>>
        %dma_start3A_29 = arith.constant 0 : i32
        %dma_start3A_30 = tpu.memref_slice %arg8[%add3A_18, %dma_start3A_29] : memref<40x128xi32, #tpu.memory_space<vmem>> -> memref<1x128xi32, #tpu.memory_space<vmem>>
        %dma_start3A_31 = tpu.memref_squeeze %dma_start3A_30 : memref<1x128xi32, #tpu.memory_space<vmem>> -> memref<128xi32, #tpu.memory_space<vmem>>
        %dma_start3A_32 = arith.constant 0 : i32
        %dma_start3A_33 = arith.constant 0 : i32
        %dma_start3A_34 = tpu.memref_slice %arg10[%dma_start3A_32, %dma_start3A_33] : memref<10240x64xf32, #tpu.memory_space<vmem_shared>> -> memref<10240x64xf32, #tpu.memory_space<vmem_shared>>
        tpu.enqueue_indirect_dma source(%arg9 : memref<128x64xf32, #tpu.memory_space<vmem>>) target(%dma_start3A_34 : memref<10240x64xf32, #tpu.memory_space<vmem_shared>>) offsets(%dma_start3A_31 : memref<128xi32, #tpu.memory_space<vmem>>) semaphore(%run_scoped3A : memref<!tpu.dma_semaphore, #tpu.memory_space<semaphore_mem>>) {add = true}
        %dma_wait3A_35 = arith.constant 0 : i32
        %dma_wait3A_36 = tpu.memref_slice %arg8[%add3A_18, %dma_wait3A_35] : memref<40x128xi32, #tpu.memory_space<vmem>> -> memref<1x128xi32, #tpu.memory_space<vmem>>
        %dma_wait3A_37 = tpu.memref_squeeze %dma_wait3A_36 : memref<1x128xi32, #tpu.memory_space<vmem>> -> memref<128xi32, #tpu.memory_space<vmem>>
        %dma_wait3A_38 = arith.constant 0 : i32
        %dma_wait3A_39 = arith.constant 0 : i32
        %dma_wait3A_40 = tpu.memref_slice %arg10[%dma_wait3A_38, %dma_wait3A_39] : memref<10240x64xf32, #tpu.memory_space<vmem_shared>> -> memref<10240x64xf32, #tpu.memory_space<vmem_shared>>
        tpu.wait_indirect_dma semaphore(%run_scoped3A : memref<!tpu.dma_semaphore, #tpu.memory_space<semaphore_mem>>) src(%arg9 : memref<128x64xf32, #tpu.memory_space<vmem>>) dst(%dma_wait3A_40 : memref<10240x64xf32, #tpu.memory_space<vmem_shared>>)
        tpu.yield
      }) : () -> ()
    }
    %scan3A_8 = arith.constant 40 : i32
    %barrier3A_9 = arith.constant 0 : index
    tpu.barrier barrier_id(%barrier3A_9)
    %mul3A_10 = arith.constant 640 : i32
    %mul3A_11 = arith.muli %arg1, %mul3A_10 : i32
    %mul3A_12 = arith.constant 640 : i32
    %mul3A_13 = arith.muli %arg1, %mul3A_12 : i32
    "tpu.region"() ({
      %run_scoped3A = tpu.sem_alloc : memref<!tpu.dma_semaphore, #tpu.memory_space<semaphore_mem>>
      %dma_start3A = arith.constant 0 : i32
      %dma_start3A_14 = tpu.memref_slice %arg6[%arg0, %mul3A_13, %dma_start3A] : memref<2x10240x64xf32, #tpu.memory_space<hbm>> -> memref<1x640x64xf32, #tpu.memory_space<hbm>>
      %dma_start3A_15 = tpu.memref_squeeze %dma_start3A_14 : memref<1x640x64xf32, #tpu.memory_space<hbm>> -> memref<640x64xf32, #tpu.memory_space<hbm>>
      %dma_start3A_16 = arith.constant 0 : i32
      %dma_start3A_17 = tpu.memref_slice %arg10[%mul3A_11, %dma_start3A_16] : memref<10240x64xf32, #tpu.memory_space<vmem_shared>> -> memref<640x64xf32, #tpu.memory_space<vmem_shared>>
      tpu.enqueue_dma source(%dma_start3A_17 : memref<640x64xf32, #tpu.memory_space<vmem_shared>>) target(%dma_start3A_15 : memref<640x64xf32, #tpu.memory_space<hbm>>) target_semaphore(%run_scoped3A : memref<!tpu.dma_semaphore, #tpu.memory_space<semaphore_mem>>)
      %dma_wait3A = arith.constant 0 : i32
      %dma_wait3A_18 = tpu.memref_slice %arg6[%arg0, %mul3A_13, %dma_wait3A] : memref<2x10240x64xf32, #tpu.memory_space<hbm>> -> memref<1x640x64xf32, #tpu.memory_space<hbm>>
      %dma_wait3A_19 = tpu.memref_squeeze %dma_wait3A_18 : memref<1x640x64xf32, #tpu.memory_space<hbm>> -> memref<640x64xf32, #tpu.memory_space<hbm>>
      %dma_wait3A_20 = arith.constant 0 : i32
      %dma_wait3A_21 = tpu.memref_slice %arg10[%mul3A_11, %dma_wait3A_20] : memref<10240x64xf32, #tpu.memory_space<vmem_shared>> -> memref<640x64xf32, #tpu.memory_space<vmem_shared>>
      tpu.wait_dma2 semaphore(%run_scoped3A : memref<!tpu.dma_semaphore, #tpu.memory_space<semaphore_mem>>) src(%dma_wait3A_21 : memref<640x64xf32, #tpu.memory_space<vmem_shared>>) dst(%dma_wait3A_19 : memref<640x64xf32, #tpu.memory_space<hbm>>)
      tpu.yield
    }) : () -> ()
    return
  }
}

#map = affine_map<(d0, d1) -> (0, 0)>
#map1 = affine_map<(d0, d1) -> (0, 0, 0)>
module attributes {stable_mosaic.version = 14 : i64} {
  func.func @body(%arg0: i32, %arg1: i32, %arg2: memref<10240x32xf32, #tpu.memory_space<hbm>>, %arg3: memref<32x40x128xi32, #tpu.memory_space<hbm>>, %arg4: memref<32x40x128xi32, #tpu.memory_space<hbm>>, %arg5: memref<10240x32xf32, #tpu.memory_space<hbm>>, %arg6: memref<2x10240x32xf32, #tpu.memory_space<hbm>>, %arg7: memref<40x128xi32, #tpu.memory_space<vmem>>, %arg8: memref<40x128xi32, #tpu.memory_space<vmem>>, %arg9: memref<128x32xf32, #tpu.memory_space<vmem>>, %arg10: memref<10240x32xf32, #tpu.memory_space<vmem_shared>>, %arg11: memref<!tpu.dma_semaphore, #tpu.memory_space<semaphore_mem>>) attributes {dimension_semantics = [#tpu.dimension_semantics<core_parallel>, #tpu.dimension_semantics<subcore_parallel>], iteration_bounds = array<i64: 2, 16>, scalar_prefetch = 0 : i64, scratch_operands = 5 : i64, tpu.core_type = #tpu.core_type<sc_vector_subcore>, window_params = [{transform_indices = #map}, {transform_indices = #map1}, {transform_indices = #map1}, {transform_indices = #map}, {transform_indices = #map1}]} {
    %mul3A = arith.constant 16 : i32
    %mul3A_0 = arith.muli %arg0, %mul3A : i32
    %add3A = arith.addi %mul3A_0, %arg1 : i32
    %mul3A_1 = arith.constant 640 : i32
    %mul3A_2 = arith.muli %arg1, %mul3A_1 : i32
    %mul3A_3 = arith.constant 640 : i32
    %mul3A_4 = arith.muli %arg1, %mul3A_3 : i32
    "tpu.region"() ({
      %run_scoped3A = tpu.sem_alloc : memref<!tpu.dma_semaphore, #tpu.memory_space<semaphore_mem>>
      %dma_start3A = arith.constant 0 : i32
      %dma_start3A_14 = tpu.memref_slice %arg10[%mul3A_4, %dma_start3A] : memref<10240x32xf32, #tpu.memory_space<vmem_shared>> -> memref<640x32xf32, #tpu.memory_space<vmem_shared>>
      %dma_start3A_15 = arith.constant 0 : i32
      %dma_start3A_16 = tpu.memref_slice %arg5[%mul3A_2, %dma_start3A_15] : memref<10240x32xf32, #tpu.memory_space<hbm>> -> memref<640x32xf32, #tpu.memory_space<hbm>>
      tpu.enqueue_dma source(%dma_start3A_16 : memref<640x32xf32, #tpu.memory_space<hbm>>) target(%dma_start3A_14 : memref<640x32xf32, #tpu.memory_space<vmem_shared>>) target_semaphore(%run_scoped3A : memref<!tpu.dma_semaphore, #tpu.memory_space<semaphore_mem>>)
      %dma_wait3A = arith.constant 0 : i32
      %dma_wait3A_17 = tpu.memref_slice %arg10[%mul3A_4, %dma_wait3A] : memref<10240x32xf32, #tpu.memory_space<vmem_shared>> -> memref<640x32xf32, #tpu.memory_space<vmem_shared>>
      %dma_wait3A_18 = arith.constant 0 : i32
      %dma_wait3A_19 = tpu.memref_slice %arg5[%mul3A_2, %dma_wait3A_18] : memref<10240x32xf32, #tpu.memory_space<hbm>> -> memref<640x32xf32, #tpu.memory_space<hbm>>
      tpu.wait_dma2 semaphore(%run_scoped3A : memref<!tpu.dma_semaphore, #tpu.memory_space<semaphore_mem>>) src(%dma_wait3A_19 : memref<640x32xf32, #tpu.memory_space<hbm>>) dst(%dma_wait3A_17 : memref<640x32xf32, #tpu.memory_space<vmem_shared>>)
      tpu.yield
    }) : () -> ()
    "tpu.region"() ({
      %run_scoped3A = tpu.sem_alloc : memref<!tpu.dma_semaphore, #tpu.memory_space<semaphore_mem>>
      %dma_start3A = arith.constant 0 : i32
      %dma_start3A_14 = arith.constant 0 : i32
      %dma_start3A_15 = tpu.memref_slice %arg4[%add3A, %dma_start3A, %dma_start3A_14] : memref<32x40x128xi32, #tpu.memory_space<hbm>> -> memref<1x40x128xi32, #tpu.memory_space<hbm>>
      %dma_start3A_16 = tpu.memref_squeeze %dma_start3A_15 : memref<1x40x128xi32, #tpu.memory_space<hbm>> -> memref<40x128xi32, #tpu.memory_space<hbm>>
      %dma_start3A_17 = arith.constant 0 : i32
      %dma_start3A_18 = arith.constant 0 : i32
      %dma_start3A_19 = tpu.memref_slice %arg4[%add3A, %dma_start3A_17, %dma_start3A_18] : memref<32x40x128xi32, #tpu.memory_space<hbm>> -> memref<1x40x128xi32, #tpu.memory_space<hbm>>
      %dma_start3A_20 = tpu.memref_squeeze %dma_start3A_19 : memref<1x40x128xi32, #tpu.memory_space<hbm>> -> memref<40x128xi32, #tpu.memory_space<hbm>>
      tpu.enqueue_dma source(%dma_start3A_20 : memref<40x128xi32, #tpu.memory_space<hbm>>) target(%arg8 : memref<40x128xi32, #tpu.memory_space<vmem>>) target_semaphore(%run_scoped3A : memref<!tpu.dma_semaphore, #tpu.memory_space<semaphore_mem>>)
      %dma_wait3A = arith.constant 0 : i32
      %dma_wait3A_21 = arith.constant 0 : i32
      %dma_wait3A_22 = tpu.memref_slice %arg4[%add3A, %dma_wait3A, %dma_wait3A_21] : memref<32x40x128xi32, #tpu.memory_space<hbm>> -> memref<1x40x128xi32, #tpu.memory_space<hbm>>
      %dma_wait3A_23 = tpu.memref_squeeze %dma_wait3A_22 : memref<1x40x128xi32, #tpu.memory_space<hbm>> -> memref<40x128xi32, #tpu.memory_space<hbm>>
      %dma_wait3A_24 = arith.constant 0 : i32
      %dma_wait3A_25 = arith.constant 0 : i32
      %dma_wait3A_26 = tpu.memref_slice %arg4[%add3A, %dma_wait3A_24, %dma_wait3A_25] : memref<32x40x128xi32, #tpu.memory_space<hbm>> -> memref<1x40x128xi32, #tpu.memory_space<hbm>>
      %dma_wait3A_27 = tpu.memref_squeeze %dma_wait3A_26 : memref<1x40x128xi32, #tpu.memory_space<hbm>> -> memref<40x128xi32, #tpu.memory_space<hbm>>
      tpu.wait_dma2 semaphore(%run_scoped3A : memref<!tpu.dma_semaphore, #tpu.memory_space<semaphore_mem>>) src(%dma_wait3A_27 : memref<40x128xi32, #tpu.memory_space<hbm>>) dst(%arg8 : memref<40x128xi32, #tpu.memory_space<vmem>>)
      tpu.yield
    }) : () -> ()
    "tpu.region"() ({
      %run_scoped3A = tpu.sem_alloc : memref<!tpu.dma_semaphore, #tpu.memory_space<semaphore_mem>>
      %dma_start3A = arith.constant 0 : i32
      %dma_start3A_14 = arith.constant 0 : i32
      %dma_start3A_15 = tpu.memref_slice %arg3[%add3A, %dma_start3A, %dma_start3A_14] : memref<32x40x128xi32, #tpu.memory_space<hbm>> -> memref<1x40x128xi32, #tpu.memory_space<hbm>>
      %dma_start3A_16 = tpu.memref_squeeze %dma_start3A_15 : memref<1x40x128xi32, #tpu.memory_space<hbm>> -> memref<40x128xi32, #tpu.memory_space<hbm>>
      %dma_start3A_17 = arith.constant 0 : i32
      %dma_start3A_18 = arith.constant 0 : i32
      %dma_start3A_19 = tpu.memref_slice %arg3[%add3A, %dma_start3A_17, %dma_start3A_18] : memref<32x40x128xi32, #tpu.memory_space<hbm>> -> memref<1x40x128xi32, #tpu.memory_space<hbm>>
      %dma_start3A_20 = tpu.memref_squeeze %dma_start3A_19 : memref<1x40x128xi32, #tpu.memory_space<hbm>> -> memref<40x128xi32, #tpu.memory_space<hbm>>
      tpu.enqueue_dma source(%dma_start3A_20 : memref<40x128xi32, #tpu.memory_space<hbm>>) target(%arg7 : memref<40x128xi32, #tpu.memory_space<vmem>>) target_semaphore(%run_scoped3A : memref<!tpu.dma_semaphore, #tpu.memory_space<semaphore_mem>>)
      %dma_wait3A = arith.constant 0 : i32
      %dma_wait3A_21 = arith.constant 0 : i32
      %dma_wait3A_22 = tpu.memref_slice %arg3[%add3A, %dma_wait3A, %dma_wait3A_21] : memref<32x40x128xi32, #tpu.memory_space<hbm>> -> memref<1x40x128xi32, #tpu.memory_space<hbm>>
      %dma_wait3A_23 = tpu.memref_squeeze %dma_wait3A_22 : memref<1x40x128xi32, #tpu.memory_space<hbm>> -> memref<40x128xi32, #tpu.memory_space<hbm>>
      %dma_wait3A_24 = arith.constant 0 : i32
      %dma_wait3A_25 = arith.constant 0 : i32
      %dma_wait3A_26 = tpu.memref_slice %arg3[%add3A, %dma_wait3A_24, %dma_wait3A_25] : memref<32x40x128xi32, #tpu.memory_space<hbm>> -> memref<1x40x128xi32, #tpu.memory_space<hbm>>
      %dma_wait3A_27 = tpu.memref_squeeze %dma_wait3A_26 : memref<1x40x128xi32, #tpu.memory_space<hbm>> -> memref<40x128xi32, #tpu.memory_space<hbm>>
      tpu.wait_dma2 semaphore(%run_scoped3A : memref<!tpu.dma_semaphore, #tpu.memory_space<semaphore_mem>>) src(%dma_wait3A_27 : memref<40x128xi32, #tpu.memory_space<hbm>>) dst(%arg7 : memref<40x128xi32, #tpu.memory_space<vmem>>)
      tpu.yield
    }) : () -> ()
    %barrier3A = arith.constant 0 : index
    tpu.barrier barrier_id(%barrier3A)
    %scan3A = arith.constant 0 : i32
    %scan3A_5 = arith.constant 40 : i32
    %scan3A_6 = arith.addi %scan3A, %scan3A_5 : i32
    %scan3A_7 = arith.constant 1 : i32
    scf.for %scan3A_14 = %scan3A to %scan3A_6 step %scan3A_7  : i32 {
      %mul3A_15 = arith.constant 1 : i32
      %mul3A_16 = arith.muli %scan3A_14, %mul3A_15 : i32
      %add3A_17 = arith.constant 0 : i32
      %add3A_18 = arith.addi %add3A_17, %mul3A_16 : i32
      %dma_start3A = arith.constant 0 : i32
      %dma_start3A_19 = tpu.memref_slice %arg7[%add3A_18, %dma_start3A] : memref<40x128xi32, #tpu.memory_space<vmem>> -> memref<1x128xi32, #tpu.memory_space<vmem>>
      %dma_start3A_20 = tpu.memref_squeeze %dma_start3A_19 : memref<1x128xi32, #tpu.memory_space<vmem>> -> memref<128xi32, #tpu.memory_space<vmem>>
      %dma_start3A_21 = arith.constant 0 : i32
      %dma_start3A_22 = arith.constant 0 : i32
      %dma_start3A_23 = tpu.memref_slice %arg2[%dma_start3A_21, %dma_start3A_22] : memref<10240x32xf32, #tpu.memory_space<hbm>> -> memref<10240x32xf32, #tpu.memory_space<hbm>>
      tpu.enqueue_indirect_dma source(%dma_start3A_23 : memref<10240x32xf32, #tpu.memory_space<hbm>>) target(%arg9 : memref<128x32xf32, #tpu.memory_space<vmem>>) offsets(%dma_start3A_20 : memref<128xi32, #tpu.memory_space<vmem>>) semaphore(%arg11 : memref<!tpu.dma_semaphore, #tpu.memory_space<semaphore_mem>>)
      %dma_wait3A = arith.constant 0 : i32
      %dma_wait3A_24 = tpu.memref_slice %arg7[%add3A_18, %dma_wait3A] : memref<40x128xi32, #tpu.memory_space<vmem>> -> memref<1x128xi32, #tpu.memory_space<vmem>>
      %dma_wait3A_25 = tpu.memref_squeeze %dma_wait3A_24 : memref<1x128xi32, #tpu.memory_space<vmem>> -> memref<128xi32, #tpu.memory_space<vmem>>
      %dma_wait3A_26 = arith.constant 0 : i32
      %dma_wait3A_27 = arith.constant 0 : i32
      %dma_wait3A_28 = tpu.memref_slice %arg2[%dma_wait3A_26, %dma_wait3A_27] : memref<10240x32xf32, #tpu.memory_space<hbm>> -> memref<10240x32xf32, #tpu.memory_space<hbm>>
      tpu.wait_indirect_dma semaphore(%arg11 : memref<!tpu.dma_semaphore, #tpu.memory_space<semaphore_mem>>) src(%dma_wait3A_28 : memref<10240x32xf32, #tpu.memory_space<hbm>>) dst(%arg9 : memref<128x32xf32, #tpu.memory_space<vmem>>)
      "tpu.region"() ({
        %run_scoped3A = tpu.sem_alloc : memref<!tpu.dma_semaphore, #tpu.memory_space<semaphore_mem>>
        %dma_start3A_29 = arith.constant 0 : i32
        %dma_start3A_30 = tpu.memref_slice %arg8[%add3A_18, %dma_start3A_29] : memref<40x128xi32, #tpu.memory_space<vmem>> -> memref<1x128xi32, #tpu.memory_space<vmem>>
        %dma_start3A_31 = tpu.memref_squeeze %dma_start3A_30 : memref<1x128xi32, #tpu.memory_space<vmem>> -> memref<128xi32, #tpu.memory_space<vmem>>
        %dma_start3A_32 = arith.constant 0 : i32
        %dma_start3A_33 = arith.constant 0 : i32
        %dma_start3A_34 = tpu.memref_slice %arg10[%dma_start3A_32, %dma_start3A_33] : memref<10240x32xf32, #tpu.memory_space<vmem_shared>> -> memref<10240x32xf32, #tpu.memory_space<vmem_shared>>
        tpu.enqueue_indirect_dma source(%arg9 : memref<128x32xf32, #tpu.memory_space<vmem>>) target(%dma_start3A_34 : memref<10240x32xf32, #tpu.memory_space<vmem_shared>>) offsets(%dma_start3A_31 : memref<128xi32, #tpu.memory_space<vmem>>) semaphore(%run_scoped3A : memref<!tpu.dma_semaphore, #tpu.memory_space<semaphore_mem>>) {add = true}
        %dma_wait3A_35 = arith.constant 0 : i32
        %dma_wait3A_36 = tpu.memref_slice %arg8[%add3A_18, %dma_wait3A_35] : memref<40x128xi32, #tpu.memory_space<vmem>> -> memref<1x128xi32, #tpu.memory_space<vmem>>
        %dma_wait3A_37 = tpu.memref_squeeze %dma_wait3A_36 : memref<1x128xi32, #tpu.memory_space<vmem>> -> memref<128xi32, #tpu.memory_space<vmem>>
        %dma_wait3A_38 = arith.constant 0 : i32
        %dma_wait3A_39 = arith.constant 0 : i32
        %dma_wait3A_40 = tpu.memref_slice %arg10[%dma_wait3A_38, %dma_wait3A_39] : memref<10240x32xf32, #tpu.memory_space<vmem_shared>> -> memref<10240x32xf32, #tpu.memory_space<vmem_shared>>
        tpu.wait_indirect_dma semaphore(%run_scoped3A : memref<!tpu.dma_semaphore, #tpu.memory_space<semaphore_mem>>) src(%arg9 : memref<128x32xf32, #tpu.memory_space<vmem>>) dst(%dma_wait3A_40 : memref<10240x32xf32, #tpu.memory_space<vmem_shared>>)
        tpu.yield
      }) : () -> ()
    }
    %scan3A_8 = arith.constant 40 : i32
    %barrier3A_9 = arith.constant 0 : index
    tpu.barrier barrier_id(%barrier3A_9)
    %mul3A_10 = arith.constant 640 : i32
    %mul3A_11 = arith.muli %arg1, %mul3A_10 : i32
    %mul3A_12 = arith.constant 640 : i32
    %mul3A_13 = arith.muli %arg1, %mul3A_12 : i32
    "tpu.region"() ({
      %run_scoped3A = tpu.sem_alloc : memref<!tpu.dma_semaphore, #tpu.memory_space<semaphore_mem>>
      %dma_start3A = arith.constant 0 : i32
      %dma_start3A_14 = tpu.memref_slice %arg6[%arg0, %mul3A_13, %dma_start3A] : memref<2x10240x32xf32, #tpu.memory_space<hbm>> -> memref<1x640x32xf32, #tpu.memory_space<hbm>>
      %dma_start3A_15 = tpu.memref_squeeze %dma_start3A_14 : memref<1x640x32xf32, #tpu.memory_space<hbm>> -> memref<640x32xf32, #tpu.memory_space<hbm>>
      %dma_start3A_16 = arith.constant 0 : i32
      %dma_start3A_17 = tpu.memref_slice %arg10[%mul3A_11, %dma_start3A_16] : memref<10240x32xf32, #tpu.memory_space<vmem_shared>> -> memref<640x32xf32, #tpu.memory_space<vmem_shared>>
      tpu.enqueue_dma source(%dma_start3A_17 : memref<640x32xf32, #tpu.memory_space<vmem_shared>>) target(%dma_start3A_15 : memref<640x32xf32, #tpu.memory_space<hbm>>) target_semaphore(%run_scoped3A : memref<!tpu.dma_semaphore, #tpu.memory_space<semaphore_mem>>)
      %dma_wait3A = arith.constant 0 : i32
      %dma_wait3A_18 = tpu.memref_slice %arg6[%arg0, %mul3A_13, %dma_wait3A] : memref<2x10240x32xf32, #tpu.memory_space<hbm>> -> memref<1x640x32xf32, #tpu.memory_space<hbm>>
      %dma_wait3A_19 = tpu.memref_squeeze %dma_wait3A_18 : memref<1x640x32xf32, #tpu.memory_space<hbm>> -> memref<640x32xf32, #tpu.memory_space<hbm>>
      %dma_wait3A_20 = arith.constant 0 : i32
      %dma_wait3A_21 = tpu.memref_slice %arg10[%mul3A_11, %dma_wait3A_20] : memref<10240x32xf32, #tpu.memory_space<vmem_shared>> -> memref<640x32xf32, #tpu.memory_space<vmem_shared>>
      tpu.wait_dma2 semaphore(%run_scoped3A : memref<!tpu.dma_semaphore, #tpu.memory_space<semaphore_mem>>) src(%dma_wait3A_21 : memref<640x32xf32, #tpu.memory_space<vmem_shared>>) dst(%dma_wait3A_19 : memref<640x32xf32, #tpu.memory_space<hbm>>)
      tpu.yield
    }) : () -> ()
    return
  }
}

#map = affine_map<(d0, d1) -> (0, 0)>
#map1 = affine_map<(d0, d1) -> (0, 0, 0)>
module attributes {stable_mosaic.version = 14 : i64} {
  func.func @body(%arg0: i32, %arg1: i32, %arg2: memref<10240x32xf32, #tpu.memory_space<hbm>>, %arg3: memref<32x40x128xi32, #tpu.memory_space<hbm>>, %arg4: memref<32x40x128xi32, #tpu.memory_space<hbm>>, %arg5: memref<10240x32xf32, #tpu.memory_space<hbm>>, %arg6: memref<2x10240x32xf32, #tpu.memory_space<hbm>>, %arg7: memref<40x128xi32, #tpu.memory_space<vmem>>, %arg8: memref<40x128xi32, #tpu.memory_space<vmem>>, %arg9: memref<128x32xf32, #tpu.memory_space<vmem>>, %arg10: memref<10240x32xf32, #tpu.memory_space<vmem_shared>>, %arg11: memref<!tpu.dma_semaphore, #tpu.memory_space<semaphore_mem>>) attributes {dimension_semantics = [#tpu.dimension_semantics<core_parallel>, #tpu.dimension_semantics<subcore_parallel>], iteration_bounds = array<i64: 2, 16>, scalar_prefetch = 0 : i64, scratch_operands = 5 : i64, tpu.core_type = #tpu.core_type<sc_vector_subcore>, window_params = [{transform_indices = #map}, {transform_indices = #map1}, {transform_indices = #map1}, {transform_indices = #map}, {transform_indices = #map1}]} {
    %mul3A = arith.constant 16 : i32
    %mul3A_0 = arith.muli %arg0, %mul3A : i32
    %add3A = arith.addi %mul3A_0, %arg1 : i32
    %mul3A_1 = arith.constant 640 : i32
    %mul3A_2 = arith.muli %arg1, %mul3A_1 : i32
    %mul3A_3 = arith.constant 640 : i32
    %mul3A_4 = arith.muli %arg1, %mul3A_3 : i32
    "tpu.region"() ({
      %run_scoped3A = tpu.sem_alloc : memref<!tpu.dma_semaphore, #tpu.memory_space<semaphore_mem>>
      %dma_start3A = arith.constant 0 : i32
      %dma_start3A_14 = tpu.memref_slice %arg10[%mul3A_4, %dma_start3A] : memref<10240x32xf32, #tpu.memory_space<vmem_shared>> -> memref<640x32xf32, #tpu.memory_space<vmem_shared>>
      %dma_start3A_15 = arith.constant 0 : i32
      %dma_start3A_16 = tpu.memref_slice %arg5[%mul3A_2, %dma_start3A_15] : memref<10240x32xf32, #tpu.memory_space<hbm>> -> memref<640x32xf32, #tpu.memory_space<hbm>>
      tpu.enqueue_dma source(%dma_start3A_16 : memref<640x32xf32, #tpu.memory_space<hbm>>) target(%dma_start3A_14 : memref<640x32xf32, #tpu.memory_space<vmem_shared>>) target_semaphore(%run_scoped3A : memref<!tpu.dma_semaphore, #tpu.memory_space<semaphore_mem>>)
      %dma_wait3A = arith.constant 0 : i32
      %dma_wait3A_17 = tpu.memref_slice %arg10[%mul3A_4, %dma_wait3A] : memref<10240x32xf32, #tpu.memory_space<vmem_shared>> -> memref<640x32xf32, #tpu.memory_space<vmem_shared>>
      %dma_wait3A_18 = arith.constant 0 : i32
      %dma_wait3A_19 = tpu.memref_slice %arg5[%mul3A_2, %dma_wait3A_18] : memref<10240x32xf32, #tpu.memory_space<hbm>> -> memref<640x32xf32, #tpu.memory_space<hbm>>
      tpu.wait_dma2 semaphore(%run_scoped3A : memref<!tpu.dma_semaphore, #tpu.memory_space<semaphore_mem>>) src(%dma_wait3A_19 : memref<640x32xf32, #tpu.memory_space<hbm>>) dst(%dma_wait3A_17 : memref<640x32xf32, #tpu.memory_space<vmem_shared>>)
      tpu.yield
    }) : () -> ()
    "tpu.region"() ({
      %run_scoped3A = tpu.sem_alloc : memref<!tpu.dma_semaphore, #tpu.memory_space<semaphore_mem>>
      %dma_start3A = arith.constant 0 : i32
      %dma_start3A_14 = arith.constant 0 : i32
      %dma_start3A_15 = tpu.memref_slice %arg4[%add3A, %dma_start3A, %dma_start3A_14] : memref<32x40x128xi32, #tpu.memory_space<hbm>> -> memref<1x40x128xi32, #tpu.memory_space<hbm>>
      %dma_start3A_16 = tpu.memref_squeeze %dma_start3A_15 : memref<1x40x128xi32, #tpu.memory_space<hbm>> -> memref<40x128xi32, #tpu.memory_space<hbm>>
      %dma_start3A_17 = arith.constant 0 : i32
      %dma_start3A_18 = arith.constant 0 : i32
      %dma_start3A_19 = tpu.memref_slice %arg4[%add3A, %dma_start3A_17, %dma_start3A_18] : memref<32x40x128xi32, #tpu.memory_space<hbm>> -> memref<1x40x128xi32, #tpu.memory_space<hbm>>
      %dma_start3A_20 = tpu.memref_squeeze %dma_start3A_19 : memref<1x40x128xi32, #tpu.memory_space<hbm>> -> memref<40x128xi32, #tpu.memory_space<hbm>>
      tpu.enqueue_dma source(%dma_start3A_20 : memref<40x128xi32, #tpu.memory_space<hbm>>) target(%arg8 : memref<40x128xi32, #tpu.memory_space<vmem>>) target_semaphore(%run_scoped3A : memref<!tpu.dma_semaphore, #tpu.memory_space<semaphore_mem>>)
      %dma_wait3A = arith.constant 0 : i32
      %dma_wait3A_21 = arith.constant 0 : i32
      %dma_wait3A_22 = tpu.memref_slice %arg4[%add3A, %dma_wait3A, %dma_wait3A_21] : memref<32x40x128xi32, #tpu.memory_space<hbm>> -> memref<1x40x128xi32, #tpu.memory_space<hbm>>
      %dma_wait3A_23 = tpu.memref_squeeze %dma_wait3A_22 : memref<1x40x128xi32, #tpu.memory_space<hbm>> -> memref<40x128xi32, #tpu.memory_space<hbm>>
      %dma_wait3A_24 = arith.constant 0 : i32
      %dma_wait3A_25 = arith.constant 0 : i32
      %dma_wait3A_26 = tpu.memref_slice %arg4[%add3A, %dma_wait3A_24, %dma_wait3A_25] : memref<32x40x128xi32, #tpu.memory_space<hbm>> -> memref<1x40x128xi32, #tpu.memory_space<hbm>>
      %dma_wait3A_27 = tpu.memref_squeeze %dma_wait3A_26 : memref<1x40x128xi32, #tpu.memory_space<hbm>> -> memref<40x128xi32, #tpu.memory_space<hbm>>
      tpu.wait_dma2 semaphore(%run_scoped3A : memref<!tpu.dma_semaphore, #tpu.memory_space<semaphore_mem>>) src(%dma_wait3A_27 : memref<40x128xi32, #tpu.memory_space<hbm>>) dst(%arg8 : memref<40x128xi32, #tpu.memory_space<vmem>>)
      tpu.yield
    }) : () -> ()
    "tpu.region"() ({
      %run_scoped3A = tpu.sem_alloc : memref<!tpu.dma_semaphore, #tpu.memory_space<semaphore_mem>>
      %dma_start3A = arith.constant 0 : i32
      %dma_start3A_14 = arith.constant 0 : i32
      %dma_start3A_15 = tpu.memref_slice %arg3[%add3A, %dma_start3A, %dma_start3A_14] : memref<32x40x128xi32, #tpu.memory_space<hbm>> -> memref<1x40x128xi32, #tpu.memory_space<hbm>>
      %dma_start3A_16 = tpu.memref_squeeze %dma_start3A_15 : memref<1x40x128xi32, #tpu.memory_space<hbm>> -> memref<40x128xi32, #tpu.memory_space<hbm>>
      %dma_start3A_17 = arith.constant 0 : i32
      %dma_start3A_18 = arith.constant 0 : i32
      %dma_start3A_19 = tpu.memref_slice %arg3[%add3A, %dma_start3A_17, %dma_start3A_18] : memref<32x40x128xi32, #tpu.memory_space<hbm>> -> memref<1x40x128xi32, #tpu.memory_space<hbm>>
      %dma_start3A_20 = tpu.memref_squeeze %dma_start3A_19 : memref<1x40x128xi32, #tpu.memory_space<hbm>> -> memref<40x128xi32, #tpu.memory_space<hbm>>
      tpu.enqueue_dma source(%dma_start3A_20 : memref<40x128xi32, #tpu.memory_space<hbm>>) target(%arg7 : memref<40x128xi32, #tpu.memory_space<vmem>>) target_semaphore(%run_scoped3A : memref<!tpu.dma_semaphore, #tpu.memory_space<semaphore_mem>>)
      %dma_wait3A = arith.constant 0 : i32
      %dma_wait3A_21 = arith.constant 0 : i32
      %dma_wait3A_22 = tpu.memref_slice %arg3[%add3A, %dma_wait3A, %dma_wait3A_21] : memref<32x40x128xi32, #tpu.memory_space<hbm>> -> memref<1x40x128xi32, #tpu.memory_space<hbm>>
      %dma_wait3A_23 = tpu.memref_squeeze %dma_wait3A_22 : memref<1x40x128xi32, #tpu.memory_space<hbm>> -> memref<40x128xi32, #tpu.memory_space<hbm>>
      %dma_wait3A_24 = arith.constant 0 : i32
      %dma_wait3A_25 = arith.constant 0 : i32
      %dma_wait3A_26 = tpu.memref_slice %arg3[%add3A, %dma_wait3A_24, %dma_wait3A_25] : memref<32x40x128xi32, #tpu.memory_space<hbm>> -> memref<1x40x128xi32, #tpu.memory_space<hbm>>
      %dma_wait3A_27 = tpu.memref_squeeze %dma_wait3A_26 : memref<1x40x128xi32, #tpu.memory_space<hbm>> -> memref<40x128xi32, #tpu.memory_space<hbm>>
      tpu.wait_dma2 semaphore(%run_scoped3A : memref<!tpu.dma_semaphore, #tpu.memory_space<semaphore_mem>>) src(%dma_wait3A_27 : memref<40x128xi32, #tpu.memory_space<hbm>>) dst(%arg7 : memref<40x128xi32, #tpu.memory_space<vmem>>)
      tpu.yield
    }) : () -> ()
    %barrier3A = arith.constant 0 : index
    tpu.barrier barrier_id(%barrier3A)
    %scan3A = arith.constant 0 : i32
    %scan3A_5 = arith.constant 40 : i32
    %scan3A_6 = arith.addi %scan3A, %scan3A_5 : i32
    %scan3A_7 = arith.constant 1 : i32
    scf.for %scan3A_14 = %scan3A to %scan3A_6 step %scan3A_7  : i32 {
      %mul3A_15 = arith.constant 1 : i32
      %mul3A_16 = arith.muli %scan3A_14, %mul3A_15 : i32
      %add3A_17 = arith.constant 0 : i32
      %add3A_18 = arith.addi %add3A_17, %mul3A_16 : i32
      %dma_start3A = arith.constant 0 : i32
      %dma_start3A_19 = tpu.memref_slice %arg7[%add3A_18, %dma_start3A] : memref<40x128xi32, #tpu.memory_space<vmem>> -> memref<1x128xi32, #tpu.memory_space<vmem>>
      %dma_start3A_20 = tpu.memref_squeeze %dma_start3A_19 : memref<1x128xi32, #tpu.memory_space<vmem>> -> memref<128xi32, #tpu.memory_space<vmem>>
      %dma_start3A_21 = arith.constant 0 : i32
      %dma_start3A_22 = arith.constant 0 : i32
      %dma_start3A_23 = tpu.memref_slice %arg2[%dma_start3A_21, %dma_start3A_22] : memref<10240x32xf32, #tpu.memory_space<hbm>> -> memref<10240x32xf32, #tpu.memory_space<hbm>>
      tpu.enqueue_indirect_dma source(%dma_start3A_23 : memref<10240x32xf32, #tpu.memory_space<hbm>>) target(%arg9 : memref<128x32xf32, #tpu.memory_space<vmem>>) offsets(%dma_start3A_20 : memref<128xi32, #tpu.memory_space<vmem>>) semaphore(%arg11 : memref<!tpu.dma_semaphore, #tpu.memory_space<semaphore_mem>>)
      %dma_wait3A = arith.constant 0 : i32
      %dma_wait3A_24 = tpu.memref_slice %arg7[%add3A_18, %dma_wait3A] : memref<40x128xi32, #tpu.memory_space<vmem>> -> memref<1x128xi32, #tpu.memory_space<vmem>>
      %dma_wait3A_25 = tpu.memref_squeeze %dma_wait3A_24 : memref<1x128xi32, #tpu.memory_space<vmem>> -> memref<128xi32, #tpu.memory_space<vmem>>
      %dma_wait3A_26 = arith.constant 0 : i32
      %dma_wait3A_27 = arith.constant 0 : i32
      %dma_wait3A_28 = tpu.memref_slice %arg2[%dma_wait3A_26, %dma_wait3A_27] : memref<10240x32xf32, #tpu.memory_space<hbm>> -> memref<10240x32xf32, #tpu.memory_space<hbm>>
      tpu.wait_indirect_dma semaphore(%arg11 : memref<!tpu.dma_semaphore, #tpu.memory_space<semaphore_mem>>) src(%dma_wait3A_28 : memref<10240x32xf32, #tpu.memory_space<hbm>>) dst(%arg9 : memref<128x32xf32, #tpu.memory_space<vmem>>)
      "tpu.region"() ({
        %run_scoped3A = tpu.sem_alloc : memref<!tpu.dma_semaphore, #tpu.memory_space<semaphore_mem>>
        %dma_start3A_29 = arith.constant 0 : i32
        %dma_start3A_30 = tpu.memref_slice %arg8[%add3A_18, %dma_start3A_29] : memref<40x128xi32, #tpu.memory_space<vmem>> -> memref<1x128xi32, #tpu.memory_space<vmem>>
        %dma_start3A_31 = tpu.memref_squeeze %dma_start3A_30 : memref<1x128xi32, #tpu.memory_space<vmem>> -> memref<128xi32, #tpu.memory_space<vmem>>
        %dma_start3A_32 = arith.constant 0 : i32
        %dma_start3A_33 = arith.constant 0 : i32
        %dma_start3A_34 = tpu.memref_slice %arg10[%dma_start3A_32, %dma_start3A_33] : memref<10240x32xf32, #tpu.memory_space<vmem_shared>> -> memref<10240x32xf32, #tpu.memory_space<vmem_shared>>
        tpu.enqueue_indirect_dma source(%arg9 : memref<128x32xf32, #tpu.memory_space<vmem>>) target(%dma_start3A_34 : memref<10240x32xf32, #tpu.memory_space<vmem_shared>>) offsets(%dma_start3A_31 : memref<128xi32, #tpu.memory_space<vmem>>) semaphore(%run_scoped3A : memref<!tpu.dma_semaphore, #tpu.memory_space<semaphore_mem>>) {add = true}
        %dma_wait3A_35 = arith.constant 0 : i32
        %dma_wait3A_36 = tpu.memref_slice %arg8[%add3A_18, %dma_wait3A_35] : memref<40x128xi32, #tpu.memory_space<vmem>> -> memref<1x128xi32, #tpu.memory_space<vmem>>
        %dma_wait3A_37 = tpu.memref_squeeze %dma_wait3A_36 : memref<1x128xi32, #tpu.memory_space<vmem>> -> memref<128xi32, #tpu.memory_space<vmem>>
        %dma_wait3A_38 = arith.constant 0 : i32
        %dma_wait3A_39 = arith.constant 0 : i32
        %dma_wait3A_40 = tpu.memref_slice %arg10[%dma_wait3A_38, %dma_wait3A_39] : memref<10240x32xf32, #tpu.memory_space<vmem_shared>> -> memref<10240x32xf32, #tpu.memory_space<vmem_shared>>
        tpu.wait_indirect_dma semaphore(%run_scoped3A : memref<!tpu.dma_semaphore, #tpu.memory_space<semaphore_mem>>) src(%arg9 : memref<128x32xf32, #tpu.memory_space<vmem>>) dst(%dma_wait3A_40 : memref<10240x32xf32, #tpu.memory_space<vmem_shared>>)
        tpu.yield
      }) : () -> ()
    }
    %scan3A_8 = arith.constant 40 : i32
    %barrier3A_9 = arith.constant 0 : index
    tpu.barrier barrier_id(%barrier3A_9)
    %mul3A_10 = arith.constant 640 : i32
    %mul3A_11 = arith.muli %arg1, %mul3A_10 : i32
    %mul3A_12 = arith.constant 640 : i32
    %mul3A_13 = arith.muli %arg1, %mul3A_12 : i32
    "tpu.region"() ({
      %run_scoped3A = tpu.sem_alloc : memref<!tpu.dma_semaphore, #tpu.memory_space<semaphore_mem>>
      %dma_start3A = arith.constant 0 : i32
      %dma_start3A_14 = tpu.memref_slice %arg6[%arg0, %mul3A_13, %dma_start3A] : memref<2x10240x32xf32, #tpu.memory_space<hbm>> -> memref<1x640x32xf32, #tpu.memory_space<hbm>>
      %dma_start3A_15 = tpu.memref_squeeze %dma_start3A_14 : memref<1x640x32xf32, #tpu.memory_space<hbm>> -> memref<640x32xf32, #tpu.memory_space<hbm>>
      %dma_start3A_16 = arith.constant 0 : i32
      %dma_start3A_17 = tpu.memref_slice %arg10[%mul3A_11, %dma_start3A_16] : memref<10240x32xf32, #tpu.memory_space<vmem_shared>> -> memref<640x32xf32, #tpu.memory_space<vmem_shared>>
      tpu.enqueue_dma source(%dma_start3A_17 : memref<640x32xf32, #tpu.memory_space<vmem_shared>>) target(%dma_start3A_15 : memref<640x32xf32, #tpu.memory_space<hbm>>) target_semaphore(%run_scoped3A : memref<!tpu.dma_semaphore, #tpu.memory_space<semaphore_mem>>)
      %dma_wait3A = arith.constant 0 : i32
      %dma_wait3A_18 = tpu.memref_slice %arg6[%arg0, %mul3A_13, %dma_wait3A] : memref<2x10240x32xf32, #tpu.memory_space<hbm>> -> memref<1x640x32xf32, #tpu.memory_space<hbm>>
      %dma_wait3A_19 = tpu.memref_squeeze %dma_wait3A_18 : memref<1x640x32xf32, #tpu.memory_space<hbm>> -> memref<640x32xf32, #tpu.memory_space<hbm>>
      %dma_wait3A_20 = arith.constant 0 : i32
      %dma_wait3A_21 = tpu.memref_slice %arg10[%mul3A_11, %dma_wait3A_20] : memref<10240x32xf32, #tpu.memory_space<vmem_shared>> -> memref<640x32xf32, #tpu.memory_space<vmem_shared>>
      tpu.wait_dma2 semaphore(%run_scoped3A : memref<!tpu.dma_semaphore, #tpu.memory_space<semaphore_mem>>) src(%dma_wait3A_21 : memref<640x32xf32, #tpu.memory_space<vmem_shared>>) dst(%dma_wait3A_19 : memref<640x32xf32, #tpu.memory_space<hbm>>)
      tpu.yield
    }) : () -> ()
    return
  }
}

#map = affine_map<(d0, d1) -> (0, 0)>
#map1 = affine_map<(d0, d1) -> (0, 0, 0)>
module attributes {stable_mosaic.version = 14 : i64} {
  func.func @body(%arg0: i32, %arg1: i32, %arg2: memref<10240x64xf32, #tpu.memory_space<hbm>>, %arg3: memref<32x5x64xi32, #tpu.memory_space<hbm>>, %arg4: memref<32x5x64xi32, #tpu.memory_space<hbm>>, %arg5: memref<640x64xf32, #tpu.memory_space<hbm>>, %arg6: memref<2x640x64xf32, #tpu.memory_space<hbm>>, %arg7: memref<5x64xi32, #tpu.memory_space<vmem>>, %arg8: memref<5x64xi32, #tpu.memory_space<vmem>>, %arg9: memref<64x64xf32, #tpu.memory_space<vmem>>, %arg10: memref<640x64xf32, #tpu.memory_space<vmem_shared>>, %arg11: memref<!tpu.dma_semaphore, #tpu.memory_space<semaphore_mem>>) attributes {dimension_semantics = [#tpu.dimension_semantics<core_parallel>, #tpu.dimension_semantics<subcore_parallel>], iteration_bounds = array<i64: 2, 16>, scalar_prefetch = 0 : i64, scratch_operands = 5 : i64, tpu.core_type = #tpu.core_type<sc_vector_subcore>, window_params = [{transform_indices = #map}, {transform_indices = #map1}, {transform_indices = #map1}, {transform_indices = #map}, {transform_indices = #map1}]} {
    %mul3A = arith.constant 16 : i32
    %mul3A_0 = arith.muli %arg0, %mul3A : i32
    %add3A = arith.addi %mul3A_0, %arg1 : i32
    %mul3A_1 = arith.constant 40 : i32
    %mul3A_2 = arith.muli %arg1, %mul3A_1 : i32
    %mul3A_3 = arith.constant 40 : i32
    %mul3A_4 = arith.muli %arg1, %mul3A_3 : i32
    "tpu.region"() ({
      %run_scoped3A = tpu.sem_alloc : memref<!tpu.dma_semaphore, #tpu.memory_space<semaphore_mem>>
      %dma_start3A = arith.constant 0 : i32
      %dma_start3A_14 = tpu.memref_slice %arg10[%mul3A_4, %dma_start3A] : memref<640x64xf32, #tpu.memory_space<vmem_shared>> -> memref<40x64xf32, #tpu.memory_space<vmem_shared>>
      %dma_start3A_15 = arith.constant 0 : i32
      %dma_start3A_16 = tpu.memref_slice %arg5[%mul3A_2, %dma_start3A_15] : memref<640x64xf32, #tpu.memory_space<hbm>> -> memref<40x64xf32, #tpu.memory_space<hbm>>
      tpu.enqueue_dma source(%dma_start3A_16 : memref<40x64xf32, #tpu.memory_space<hbm>>) target(%dma_start3A_14 : memref<40x64xf32, #tpu.memory_space<vmem_shared>>) target_semaphore(%run_scoped3A : memref<!tpu.dma_semaphore, #tpu.memory_space<semaphore_mem>>)
      %dma_wait3A = arith.constant 0 : i32
      %dma_wait3A_17 = tpu.memref_slice %arg10[%mul3A_4, %dma_wait3A] : memref<640x64xf32, #tpu.memory_space<vmem_shared>> -> memref<40x64xf32, #tpu.memory_space<vmem_shared>>
      %dma_wait3A_18 = arith.constant 0 : i32
      %dma_wait3A_19 = tpu.memref_slice %arg5[%mul3A_2, %dma_wait3A_18] : memref<640x64xf32, #tpu.memory_space<hbm>> -> memref<40x64xf32, #tpu.memory_space<hbm>>
      tpu.wait_dma2 semaphore(%run_scoped3A : memref<!tpu.dma_semaphore, #tpu.memory_space<semaphore_mem>>) src(%dma_wait3A_19 : memref<40x64xf32, #tpu.memory_space<hbm>>) dst(%dma_wait3A_17 : memref<40x64xf32, #tpu.memory_space<vmem_shared>>)
      tpu.yield
    }) : () -> ()
    "tpu.region"() ({
      %run_scoped3A = tpu.sem_alloc : memref<!tpu.dma_semaphore, #tpu.memory_space<semaphore_mem>>
      %dma_start3A = arith.constant 0 : i32
      %dma_start3A_14 = arith.constant 0 : i32
      %dma_start3A_15 = tpu.memref_slice %arg4[%add3A, %dma_start3A, %dma_start3A_14] : memref<32x5x64xi32, #tpu.memory_space<hbm>> -> memref<1x5x64xi32, #tpu.memory_space<hbm>>
      %dma_start3A_16 = tpu.memref_squeeze %dma_start3A_15 : memref<1x5x64xi32, #tpu.memory_space<hbm>> -> memref<5x64xi32, #tpu.memory_space<hbm>>
      %dma_start3A_17 = arith.constant 0 : i32
      %dma_start3A_18 = arith.constant 0 : i32
      %dma_start3A_19 = tpu.memref_slice %arg4[%add3A, %dma_start3A_17, %dma_start3A_18] : memref<32x5x64xi32, #tpu.memory_space<hbm>> -> memref<1x5x64xi32, #tpu.memory_space<hbm>>
      %dma_start3A_20 = tpu.memref_squeeze %dma_start3A_19 : memref<1x5x64xi32, #tpu.memory_space<hbm>> -> memref<5x64xi32, #tpu.memory_space<hbm>>
      tpu.enqueue_dma source(%dma_start3A_20 : memref<5x64xi32, #tpu.memory_space<hbm>>) target(%arg8 : memref<5x64xi32, #tpu.memory_space<vmem>>) target_semaphore(%run_scoped3A : memref<!tpu.dma_semaphore, #tpu.memory_space<semaphore_mem>>)
      %dma_wait3A = arith.constant 0 : i32
      %dma_wait3A_21 = arith.constant 0 : i32
      %dma_wait3A_22 = tpu.memref_slice %arg4[%add3A, %dma_wait3A, %dma_wait3A_21] : memref<32x5x64xi32, #tpu.memory_space<hbm>> -> memref<1x5x64xi32, #tpu.memory_space<hbm>>
      %dma_wait3A_23 = tpu.memref_squeeze %dma_wait3A_22 : memref<1x5x64xi32, #tpu.memory_space<hbm>> -> memref<5x64xi32, #tpu.memory_space<hbm>>
      %dma_wait3A_24 = arith.constant 0 : i32
      %dma_wait3A_25 = arith.constant 0 : i32
      %dma_wait3A_26 = tpu.memref_slice %arg4[%add3A, %dma_wait3A_24, %dma_wait3A_25] : memref<32x5x64xi32, #tpu.memory_space<hbm>> -> memref<1x5x64xi32, #tpu.memory_space<hbm>>
      %dma_wait3A_27 = tpu.memref_squeeze %dma_wait3A_26 : memref<1x5x64xi32, #tpu.memory_space<hbm>> -> memref<5x64xi32, #tpu.memory_space<hbm>>
      tpu.wait_dma2 semaphore(%run_scoped3A : memref<!tpu.dma_semaphore, #tpu.memory_space<semaphore_mem>>) src(%dma_wait3A_27 : memref<5x64xi32, #tpu.memory_space<hbm>>) dst(%arg8 : memref<5x64xi32, #tpu.memory_space<vmem>>)
      tpu.yield
    }) : () -> ()
    %barrier3A = arith.constant 0 : index
    tpu.barrier barrier_id(%barrier3A)
    %scan3A = arith.constant 0 : i32
    %scan3A_5 = arith.constant 5 : i32
    %scan3A_6 = arith.addi %scan3A, %scan3A_5 : i32
    %scan3A_7 = arith.constant 1 : i32
    scf.for %scan3A_14 = %scan3A to %scan3A_6 step %scan3A_7  : i32 {
      %mul3A_15 = arith.constant 1 : i32
      %mul3A_16 = arith.muli %scan3A_14, %mul3A_15 : i32
      %add3A_17 = arith.constant 0 : i32
      %add3A_18 = arith.addi %add3A_17, %mul3A_16 : i32
      %mul3A_19 = arith.constant 5 : i32
      %mul3A_20 = arith.muli %add3A, %mul3A_19 : i32
      %add3A_21 = arith.addi %mul3A_20, %add3A_18 : i32
      %mul3A_22 = arith.constant 64 : i32
      %mul3A_23 = arith.muli %add3A_21, %mul3A_22 : i32
      %dma_start3A = arith.constant 0 : i32
      %dma_start3A_24 = tpu.memref_slice %arg2[%mul3A_23, %dma_start3A] : memref<10240x64xf32, #tpu.memory_space<hbm>> -> memref<64x64xf32, #tpu.memory_space<hbm>>
      %dma_start3A_25 = arith.constant 0 : i32
      %dma_start3A_26 = tpu.memref_slice %arg2[%mul3A_23, %dma_start3A_25] : memref<10240x64xf32, #tpu.memory_space<hbm>> -> memref<64x64xf32, #tpu.memory_space<hbm>>
      tpu.enqueue_dma source(%dma_start3A_26 : memref<64x64xf32, #tpu.memory_space<hbm>>) target(%arg9 : memref<64x64xf32, #tpu.memory_space<vmem>>) target_semaphore(%arg11 : memref<!tpu.dma_semaphore, #tpu.memory_space<semaphore_mem>>)
      %dma_wait3A = arith.constant 0 : i32
      %dma_wait3A_27 = tpu.memref_slice %arg2[%mul3A_23, %dma_wait3A] : memref<10240x64xf32, #tpu.memory_space<hbm>> -> memref<64x64xf32, #tpu.memory_space<hbm>>
      %dma_wait3A_28 = arith.constant 0 : i32
      %dma_wait3A_29 = tpu.memref_slice %arg2[%mul3A_23, %dma_wait3A_28] : memref<10240x64xf32, #tpu.memory_space<hbm>> -> memref<64x64xf32, #tpu.memory_space<hbm>>
      tpu.wait_dma2 semaphore(%arg11 : memref<!tpu.dma_semaphore, #tpu.memory_space<semaphore_mem>>) src(%dma_wait3A_29 : memref<64x64xf32, #tpu.memory_space<hbm>>) dst(%arg9 : memref<64x64xf32, #tpu.memory_space<vmem>>)
      "tpu.region"() ({
        %run_scoped3A = tpu.sem_alloc : memref<!tpu.dma_semaphore, #tpu.memory_space<semaphore_mem>>
        %dma_start3A_30 = arith.constant 0 : i32
        %dma_start3A_31 = tpu.memref_slice %arg8[%add3A_18, %dma_start3A_30] : memref<5x64xi32, #tpu.memory_space<vmem>> -> memref<1x64xi32, #tpu.memory_space<vmem>>
        %dma_start3A_32 = tpu.memref_squeeze %dma_start3A_31 : memref<1x64xi32, #tpu.memory_space<vmem>> -> memref<64xi32, #tpu.memory_space<vmem>>
        %dma_start3A_33 = arith.constant 0 : i32
        %dma_start3A_34 = arith.constant 0 : i32
        %dma_start3A_35 = tpu.memref_slice %arg10[%dma_start3A_33, %dma_start3A_34] : memref<640x64xf32, #tpu.memory_space<vmem_shared>> -> memref<640x64xf32, #tpu.memory_space<vmem_shared>>
        tpu.enqueue_indirect_dma source(%arg9 : memref<64x64xf32, #tpu.memory_space<vmem>>) target(%dma_start3A_35 : memref<640x64xf32, #tpu.memory_space<vmem_shared>>) offsets(%dma_start3A_32 : memref<64xi32, #tpu.memory_space<vmem>>) semaphore(%run_scoped3A : memref<!tpu.dma_semaphore, #tpu.memory_space<semaphore_mem>>) {add = true}
        %dma_wait3A_36 = arith.constant 0 : i32
        %dma_wait3A_37 = tpu.memref_slice %arg8[%add3A_18, %dma_wait3A_36] : memref<5x64xi32, #tpu.memory_space<vmem>> -> memref<1x64xi32, #tpu.memory_space<vmem>>
        %dma_wait3A_38 = tpu.memref_squeeze %dma_wait3A_37 : memref<1x64xi32, #tpu.memory_space<vmem>> -> memref<64xi32, #tpu.memory_space<vmem>>
        %dma_wait3A_39 = arith.constant 0 : i32
        %dma_wait3A_40 = arith.constant 0 : i32
        %dma_wait3A_41 = tpu.memref_slice %arg10[%dma_wait3A_39, %dma_wait3A_40] : memref<640x64xf32, #tpu.memory_space<vmem_shared>> -> memref<640x64xf32, #tpu.memory_space<vmem_shared>>
        tpu.wait_indirect_dma semaphore(%run_scoped3A : memref<!tpu.dma_semaphore, #tpu.memory_space<semaphore_mem>>) src(%arg9 : memref<64x64xf32, #tpu.memory_space<vmem>>) dst(%dma_wait3A_41 : memref<640x64xf32, #tpu.memory_space<vmem_shared>>)
        tpu.yield
      }) : () -> ()
    }
    %scan3A_8 = arith.constant 5 : i32
    %barrier3A_9 = arith.constant 0 : index
    tpu.barrier barrier_id(%barrier3A_9)
    %mul3A_10 = arith.constant 40 : i32
    %mul3A_11 = arith.muli %arg1, %mul3A_10 : i32
    %mul3A_12 = arith.constant 40 : i32
    %mul3A_13 = arith.muli %arg1, %mul3A_12 : i32
    "tpu.region"() ({
      %run_scoped3A = tpu.sem_alloc : memref<!tpu.dma_semaphore, #tpu.memory_space<semaphore_mem>>
      %dma_start3A = arith.constant 0 : i32
      %dma_start3A_14 = tpu.memref_slice %arg6[%arg0, %mul3A_13, %dma_start3A] : memref<2x640x64xf32, #tpu.memory_space<hbm>> -> memref<1x40x64xf32, #tpu.memory_space<hbm>>
      %dma_start3A_15 = tpu.memref_squeeze %dma_start3A_14 : memref<1x40x64xf32, #tpu.memory_space<hbm>> -> memref<40x64xf32, #tpu.memory_space<hbm>>
      %dma_start3A_16 = arith.constant 0 : i32
      %dma_start3A_17 = tpu.memref_slice %arg10[%mul3A_11, %dma_start3A_16] : memref<640x64xf32, #tpu.memory_space<vmem_shared>> -> memref<40x64xf32, #tpu.memory_space<vmem_shared>>
      tpu.enqueue_dma source(%dma_start3A_17 : memref<40x64xf32, #tpu.memory_space<vmem_shared>>) target(%dma_start3A_15 : memref<40x64xf32, #tpu.memory_space<hbm>>) target_semaphore(%run_scoped3A : memref<!tpu.dma_semaphore, #tpu.memory_space<semaphore_mem>>)
      %dma_wait3A = arith.constant 0 : i32
      %dma_wait3A_18 = tpu.memref_slice %arg6[%arg0, %mul3A_13, %dma_wait3A] : memref<2x640x64xf32, #tpu.memory_space<hbm>> -> memref<1x40x64xf32, #tpu.memory_space<hbm>>
      %dma_wait3A_19 = tpu.memref_squeeze %dma_wait3A_18 : memref<1x40x64xf32, #tpu.memory_space<hbm>> -> memref<40x64xf32, #tpu.memory_space<hbm>>
      %dma_wait3A_20 = arith.constant 0 : i32
      %dma_wait3A_21 = tpu.memref_slice %arg10[%mul3A_11, %dma_wait3A_20] : memref<640x64xf32, #tpu.memory_space<vmem_shared>> -> memref<40x64xf32, #tpu.memory_space<vmem_shared>>
      tpu.wait_dma2 semaphore(%run_scoped3A : memref<!tpu.dma_semaphore, #tpu.memory_space<semaphore_mem>>) src(%dma_wait3A_21 : memref<40x64xf32, #tpu.memory_space<vmem_shared>>) dst(%dma_wait3A_19 : memref<40x64xf32, #tpu.memory_space<hbm>>)
      tpu.yield
    }) : () -> ()
    return
  }
}

module attributes {stable_mosaic.version = 14 : i64} {
  func.func @body(%arg0: i32, %arg1: memref<1024x256xf32, #tpu.memory_space<vmem>>, %arg2: memref<256x32xf32, #tpu.memory_space<vmem>>, %arg3: memref<1024x32xf32, #tpu.memory_space<vmem>>) attributes {dimension_semantics = [#tpu.dimension_semantics<arbitrary>], iteration_bounds = array<i64: 10>, scalar_prefetch = 0 : i64, scratch_operands = 0 : i64, tpu.core_type = #tpu.core_type<tc>, window_params = [{transform_indices = @transform_0, window_bounds = array<i64: 1024, 256>}, {pipeline_mode = #tpu.pipeline_mode<synchronous>, transform_indices = @transform_1, window_bounds = array<i64: 256, 32>}, {transform_indices = @transform_2, window_bounds = array<i64: 1024, 32>}]} {
    %get3A = arith.constant 0 : index
    %get3A_0 = arith.constant 0 : index
    %get3A_1 = vector.load %arg1[%get3A, %get3A_0] : memref<1024x256xf32, #tpu.memory_space<vmem>>, vector<1024x256xf32>
    %get3A_2 = arith.constant 0 : index
    %get3A_3 = arith.constant 0 : index
    %get3A_4 = vector.load %arg2[%get3A_2, %get3A_3] : memref<256x32xf32, #tpu.memory_space<vmem>>, vector<256x32xf32>
    %dot_general3A = arith.constant dense<0.000000e+00> : vector<1024x32xf32>
    %dot_general3A_5 = tpu.matmul %get3A_1, %get3A_4, %dot_general3A {dimension_numbers = #tpu.dot_dimension_numbers<[1], [0], [0], [1], [0, 0, 1, 1], [], []>, transpose_lhs_hint = false} : vector<1024x256xf32>, vector<256x32xf32>, vector<1024x32xf32> -> vector<1024x32xf32>
    %swap3A = arith.constant 0 : index
    %swap3A_6 = arith.constant 0 : index
    %swap3A_7 = vector.load %arg3[%swap3A, %swap3A_6] : memref<1024x32xf32, #tpu.memory_space<vmem>>, vector<1024x32xf32>
    tpu.vector_store %arg3[%swap3A, %swap3A_6], %dot_general3A_5 {strides = array<i32>} : memref<1024x32xf32, #tpu.memory_space<vmem>>, vector<1024x32xf32>,
    return
  }
  func.func @transform_0(%arg0: i32) -> (i32, i32) {
    %c0_i32 = arith.constant 0 : i32
    %c0_i32_0 = arith.constant 0 : i32
    return %arg0, %c0_i32 : i32, i32
  }
  func.func @transform_1(%arg0: i32) -> (i32, i32) {
    %c0_i32 = arith.constant 0 : i32
    %c0_i32_0 = arith.constant 0 : i32
    %c0_i32_1 = arith.constant 0 : i32
    return %c0_i32, %c0_i32_0 : i32, i32
  }
  func.func @transform_2(%arg0: i32) -> (i32, i32) {
    %c0_i32 = arith.constant 0 : i32
    %c0_i32_0 = arith.constant 0 : i32
    return %arg0, %c0_i32 : i32, i32
  }
}

module attributes {stable_mosaic.version = 14 : i64} {
  func.func @body(%arg0: i32, %arg1: memref<2x1024x16xf32, #tpu.memory_space<vmem>>, %arg2: memref<1024x32xf32, #tpu.memory_space<vmem>>, %arg3: memref<1024x1xf32, #tpu.memory_space<vmem>>, %arg4: memref<1024x32xf32, #tpu.memory_space<vmem>>) attributes {dimension_semantics = [#tpu.dimension_semantics<arbitrary>], iteration_bounds = array<i64: 10>, scalar_prefetch = 0 : i64, scratch_operands = 0 : i64, tpu.core_type = #tpu.core_type<tc>, window_params = [{transform_indices = @transform_0, window_bounds = array<i64: 2, 1024, 16>}, {transform_indices = @transform_1, window_bounds = array<i64: 1024, 32>}, {transform_indices = @transform_2, window_bounds = array<i64: 1024, 1>}, {transform_indices = @transform_3, window_bounds = array<i64: 1024, 32>}]} {
    %get3A = arith.constant 0 : index
    %get3A_0 = arith.constant 0 : index
    %get3A_1 = arith.constant 0 : index
    %get3A_2 = vector.load %arg1[%get3A, %get3A_0, %get3A_1] : memref<2x1024x16xf32, #tpu.memory_space<vmem>>, vector<1x1024x1xf32>
    %get3A_3 = vector.shape_cast %get3A_2 : vector<1x1024x1xf32> to vector<1024x1xf32>
    %get3A_4 = arith.constant 1 : index
    %get3A_5 = arith.constant 0 : index
    %get3A_6 = arith.constant 0 : index
    %get3A_7 = vector.load %arg1[%get3A_4, %get3A_5, %get3A_6] : memref<2x1024x16xf32, #tpu.memory_space<vmem>>, vector<1x1024x1xf32>
    %get3A_8 = vector.shape_cast %get3A_7 : vector<1x1024x1xf32> to vector<1024x1xf32>
    %add3A = arith.addf %get3A_3, %get3A_8 : vector<1024x1xf32>
    %add3A_9 = arith.constant 1.000000e+00 : f32
    %add3A_10 = vector.broadcast %add3A_9 : f32 to vector<1024x1xf32>
    %add3A_11 = arith.addf %add3A, %add3A_10 : vector<1024x1xf32>
    %mul3A = arith.constant 1024 : i32
    %mul3A_12 = arith.muli %arg0, %mul3A : i32
    %iota3A = tpu.iota {dimensions = array<i32: 0>} : vector<1024x1xi32>
    %add3A_13 = vector.broadcast %mul3A_12 : i32 to vector<1024x1xi32>
    %add3A_14 = arith.addi %add3A_13, %iota3A : vector<1024x1xi32>
    %lt3A = arith.constant 10000 : i32
    %lt3A_15 = vector.broadcast %lt3A : i32 to vector<1024x1xi32>
    %lt3A_16 = arith.cmpi slt, %add3A_14, %lt3A_15 : vector<1024x1xi32>
    %sqrt3A = math.sqrt %add3A_11 : vector<1024x1xf32>
    %div3A = arith.constant 1.000000e+00 : f32
    %div3A_17 = vector.broadcast %div3A : f32 to vector<1024x1xf32>
    %div3A_18 = arith.divf %div3A_17, %sqrt3A : vector<1024x1xf32>
    %jit3A = arith.constant 0.000000e+00 : f32
    %broadcast_in_dim3A = vector.broadcast %jit3A : f32 to vector<1024x1xf32>
    %select_n3A = arith.select %lt3A_16, %div3A_18, %broadcast_in_dim3A : vector<1024x1xi1>, vector<1024x1xf32>
    %swap3A = arith.constant 0 : index
    %swap3A_19 = arith.constant 0 : index
    %swap3A_20 = vector.load %arg3[%swap3A, %swap3A_19] : memref<1024x1xf32, #tpu.memory_space<vmem>>, vector<1024x1xf32>
    tpu.vector_store %arg3[%swap3A, %swap3A_19], %select_n3A {strides = array<i32>} : memref<1024x1xf32, #tpu.memory_space<vmem>>, vector<1024x1xf32>,
    %get3A_21 = arith.constant 0 : index
    %get3A_22 = arith.constant 0 : index
    %get3A_23 = vector.load %arg2[%get3A_21, %get3A_22] : memref<1024x32xf32, #tpu.memory_space<vmem>>, vector<1024x32xf32>
    %mul3A_24 = vector.broadcast %select_n3A : vector<1024x1xf32> to vector<1024x32xf32>
    %mul3A_25 = arith.mulf %get3A_23, %mul3A_24 : vector<1024x32xf32>
    %swap3A_26 = arith.constant 0 : index
    %swap3A_27 = arith.constant 0 : index
    %swap3A_28 = vector.load %arg4[%swap3A_26, %swap3A_27] : memref<1024x32xf32, #tpu.memory_space<vmem>>, vector<1024x32xf32>
    tpu.vector_store %arg4[%swap3A_26, %swap3A_27], %mul3A_25 {strides = array<i32>} : memref<1024x32xf32, #tpu.memory_space<vmem>>, vector<1024x32xf32>,
    return
  }
  func.func @transform_0(%arg0: i32) -> (i32, i32, i32) {
    %c0_i32 = arith.constant 0 : i32
    %c0_i32_0 = arith.constant 0 : i32
    %c0_i32_1 = arith.constant 0 : i32
    return %c0_i32, %arg0, %c0_i32_0 : i32, i32, i32
  }
  func.func @transform_1(%arg0: i32) -> (i32, i32) {
    %c0_i32 = arith.constant 0 : i32
    %c0_i32_0 = arith.constant 0 : i32
    return %arg0, %c0_i32 : i32, i32
  }
  func.func @transform_2(%arg0: i32) -> (i32, i32) {
    %c0_i32 = arith.constant 0 : i32
    %c0_i32_0 = arith.constant 0 : i32
    return %arg0, %c0_i32 : i32, i32
  }
  func.func @transform_3(%arg0: i32) -> (i32, i32) {
    %c0_i32 = arith.constant 0 : i32
    %c0_i32_0 = arith.constant 0 : i32
    return %arg0, %c0_i32 : i32, i32
  }
}

module attributes {stable_mosaic.version = 14 : i64} {
  func.func @body(%arg0: i32, %arg1: memref<2x1024x32xf32, #tpu.memory_space<vmem>>, %arg2: memref<1024x32xf32, #tpu.memory_space<vmem>>, %arg3: memref<1024x1xf32, #tpu.memory_space<vmem>>, %arg4: memref<1024x32xf32, #tpu.memory_space<vmem>>) attributes {dimension_semantics = [#tpu.dimension_semantics<arbitrary>], iteration_bounds = array<i64: 10>, scalar_prefetch = 0 : i64, scratch_operands = 0 : i64, tpu.core_type = #tpu.core_type<tc>, window_params = [{transform_indices = @transform_0, window_bounds = array<i64: 2, 1024, 32>}, {transform_indices = @transform_1, window_bounds = array<i64: 1024, 32>}, {transform_indices = @transform_2, window_bounds = array<i64: 1024, 1>}, {transform_indices = @transform_3, window_bounds = array<i64: 1024, 32>}]} {
    %get3A = arith.constant 0 : index
    %get3A_0 = arith.constant 0 : index
    %get3A_1 = vector.load %arg3[%get3A, %get3A_0] : memref<1024x1xf32, #tpu.memory_space<vmem>>, vector<1024x1xf32>
    %get3A_2 = arith.constant 0 : index
    %get3A_3 = arith.constant 0 : index
    %get3A_4 = arith.constant 0 : index
    %get3A_5 = vector.load %arg1[%get3A_2, %get3A_3, %get3A_4] : memref<2x1024x32xf32, #tpu.memory_space<vmem>>, vector<1x1024x32xf32>
    %get3A_6 = vector.shape_cast %get3A_5 : vector<1x1024x32xf32> to vector<1024x32xf32>
    %get3A_7 = arith.constant 1 : index
    %get3A_8 = arith.constant 0 : index
    %get3A_9 = arith.constant 0 : index
    %get3A_10 = vector.load %arg1[%get3A_7, %get3A_8, %get3A_9] : memref<2x1024x32xf32, #tpu.memory_space<vmem>>, vector<1x1024x32xf32>
    %get3A_11 = vector.shape_cast %get3A_10 : vector<1x1024x32xf32> to vector<1024x32xf32>
    %add3A = arith.addf %get3A_6, %get3A_11 : vector<1024x32xf32>
    %get3A_12 = arith.constant 0 : index
    %get3A_13 = arith.constant 0 : index
    %get3A_14 = vector.load %arg2[%get3A_12, %get3A_13] : memref<1024x32xf32, #tpu.memory_space<vmem>>, vector<1024x32xf32>
    %add3A_15 = arith.addf %add3A, %get3A_14 : vector<1024x32xf32>
    %mul3A = vector.broadcast %get3A_1 : vector<1024x1xf32> to vector<1024x32xf32>
    %mul3A_16 = arith.mulf %add3A_15, %mul3A : vector<1024x32xf32>
    %max3A = arith.constant 0.000000e+00 : f32
    %max3A_17 = vector.broadcast %max3A : f32 to vector<1024x32xf32>
    %max3A_18 = arith.maximumf %mul3A_16, %max3A_17 : vector<1024x32xf32>
    %mul3A_19 = vector.broadcast %get3A_1 : vector<1024x1xf32> to vector<1024x32xf32>
    %mul3A_20 = arith.mulf %max3A_18, %mul3A_19 : vector<1024x32xf32>
    %swap3A = arith.constant 0 : index
    %swap3A_21 = arith.constant 0 : index
    %swap3A_22 = vector.load %arg4[%swap3A, %swap3A_21] : memref<1024x32xf32, #tpu.memory_space<vmem>>, vector<1024x32xf32>
    tpu.vector_store %arg4[%swap3A, %swap3A_21], %mul3A_20 {strides = array<i32>} : memref<1024x32xf32, #tpu.memory_space<vmem>>, vector<1024x32xf32>,
    return
  }
  func.func @transform_0(%arg0: i32) -> (i32, i32, i32) {
    %c0_i32 = arith.constant 0 : i32
    %c0_i32_0 = arith.constant 0 : i32
    %c0_i32_1 = arith.constant 0 : i32
    return %c0_i32, %arg0, %c0_i32_0 : i32, i32, i32
  }
  func.func @transform_1(%arg0: i32) -> (i32, i32) {
    %c0_i32 = arith.constant 0 : i32
    %c0_i32_0 = arith.constant 0 : i32
    return %arg0, %c0_i32 : i32, i32
  }
  func.func @transform_2(%arg0: i32) -> (i32, i32) {
    %c0_i32 = arith.constant 0 : i32
    %c0_i32_0 = arith.constant 0 : i32
    return %arg0, %c0_i32 : i32, i32
  }
  func.func @transform_3(%arg0: i32) -> (i32, i32) {
    %c0_i32 = arith.constant 0 : i32
    %c0_i32_0 = arith.constant 0 : i32
    return %arg0, %c0_i32 : i32, i32
  }
}

module attributes {stable_mosaic.version = 14 : i64} {
  func.func @body(%arg0: i32, %arg1: memref<2x1024x32xf32, #tpu.memory_space<vmem>>, %arg2: memref<1024x32xf32, #tpu.memory_space<vmem>>, %arg3: memref<1024x1xf32, #tpu.memory_space<vmem>>, %arg4: memref<32x64xf32, #tpu.memory_space<vmem>>, %arg5: memref<1024x64xf32, #tpu.memory_space<vmem>>) attributes {dimension_semantics = [#tpu.dimension_semantics<arbitrary>], iteration_bounds = array<i64: 10>, scalar_prefetch = 0 : i64, scratch_operands = 0 : i64, tpu.core_type = #tpu.core_type<tc>, window_params = [{transform_indices = @transform_0, window_bounds = array<i64: 2, 1024, 32>}, {transform_indices = @transform_1, window_bounds = array<i64: 1024, 32>}, {transform_indices = @transform_2, window_bounds = array<i64: 1024, 1>}, {pipeline_mode = #tpu.pipeline_mode<synchronous>, transform_indices = @transform_3, window_bounds = array<i64: 32, 64>}, {transform_indices = @transform_4, window_bounds = array<i64: 1024, 64>}]} {
    %get3A = arith.constant 0 : index
    %get3A_0 = arith.constant 0 : index
    %get3A_1 = vector.load %arg3[%get3A, %get3A_0] : memref<1024x1xf32, #tpu.memory_space<vmem>>, vector<1024x1xf32>
    %get3A_2 = arith.constant 0 : index
    %get3A_3 = arith.constant 0 : index
    %get3A_4 = arith.constant 0 : index
    %get3A_5 = vector.load %arg1[%get3A_2, %get3A_3, %get3A_4] : memref<2x1024x32xf32, #tpu.memory_space<vmem>>, vector<1x1024x32xf32>
    %get3A_6 = vector.shape_cast %get3A_5 : vector<1x1024x32xf32> to vector<1024x32xf32>
    %get3A_7 = arith.constant 1 : index
    %get3A_8 = arith.constant 0 : index
    %get3A_9 = arith.constant 0 : index
    %get3A_10 = vector.load %arg1[%get3A_7, %get3A_8, %get3A_9] : memref<2x1024x32xf32, #tpu.memory_space<vmem>>, vector<1x1024x32xf32>
    %get3A_11 = vector.shape_cast %get3A_10 : vector<1x1024x32xf32> to vector<1024x32xf32>
    %add3A = arith.addf %get3A_6, %get3A_11 : vector<1024x32xf32>
    %get3A_12 = arith.constant 0 : index
    %get3A_13 = arith.constant 0 : index
    %get3A_14 = vector.load %arg2[%get3A_12, %get3A_13] : memref<1024x32xf32, #tpu.memory_space<vmem>>, vector<1024x32xf32>
    %add3A_15 = arith.addf %add3A, %get3A_14 : vector<1024x32xf32>
    %mul3A = vector.broadcast %get3A_1 : vector<1024x1xf32> to vector<1024x32xf32>
    %mul3A_16 = arith.mulf %add3A_15, %mul3A : vector<1024x32xf32>
    %get3A_17 = arith.constant 0 : index
    %get3A_18 = arith.constant 0 : index
    %get3A_19 = vector.load %arg4[%get3A_17, %get3A_18] : memref<32x64xf32, #tpu.memory_space<vmem>>, vector<32x64xf32>
    %dot_general3A = arith.constant dense<0.000000e+00> : vector<1024x64xf32>
    %dot_general3A_20 = tpu.matmul %mul3A_16, %get3A_19, %dot_general3A {dimension_numbers = #tpu.dot_dimension_numbers<[1], [0], [0], [1], [0, 0, 1, 1], [], []>, transpose_lhs_hint = false} : vector<1024x32xf32>, vector<32x64xf32>, vector<1024x64xf32> -> vector<1024x64xf32>
    %max3A = arith.constant 0.000000e+00 : f32
    %max3A_21 = vector.broadcast %max3A : f32 to vector<1024x64xf32>
    %max3A_22 = arith.maximumf %dot_general3A_20, %max3A_21 : vector<1024x64xf32>
    %mul3A_23 = vector.broadcast %get3A_1 : vector<1024x1xf32> to vector<1024x64xf32>
    %mul3A_24 = arith.mulf %max3A_22, %mul3A_23 : vector<1024x64xf32>
    %swap3A = arith.constant 0 : index
    %swap3A_25 = arith.constant 0 : index
    %swap3A_26 = vector.load %arg5[%swap3A, %swap3A_25] : memref<1024x64xf32, #tpu.memory_space<vmem>>, vector<1024x64xf32>
    tpu.vector_store %arg5[%swap3A, %swap3A_25], %mul3A_24 {strides = array<i32>} : memref<1024x64xf32, #tpu.memory_space<vmem>>, vector<1024x64xf32>,
    return
  }
  func.func @transform_0(%arg0: i32) -> (i32, i32, i32) {
    %c0_i32 = arith.constant 0 : i32
    %c0_i32_0 = arith.constant 0 : i32
    %c0_i32_1 = arith.constant 0 : i32
    return %c0_i32, %arg0, %c0_i32_0 : i32, i32, i32
  }
  func.func @transform_1(%arg0: i32) -> (i32, i32) {
    %c0_i32 = arith.constant 0 : i32
    %c0_i32_0 = arith.constant 0 : i32
    return %arg0, %c0_i32 : i32, i32
  }
  func.func @transform_2(%arg0: i32) -> (i32, i32) {
    %c0_i32 = arith.constant 0 : i32
    %c0_i32_0 = arith.constant 0 : i32
    return %arg0, %c0_i32 : i32, i32
  }
  func.func @transform_3(%arg0: i32) -> (i32, i32) {
    %c0_i32 = arith.constant 0 : i32
    %c0_i32_0 = arith.constant 0 : i32
    %c0_i32_1 = arith.constant 0 : i32
    return %c0_i32, %c0_i32_0 : i32, i32
  }
  func.func @transform_4(%arg0: i32) -> (i32, i32) {
    %c0_i32 = arith.constant 0 : i32
    %c0_i32_0 = arith.constant 0 : i32
    return %arg0, %c0_i32 : i32, i32
  }
}

module attributes {stable_mosaic.version = 14 : i64} {
  func.func @body(%arg0: i32, %arg1: memref<2x1024x64xf32, #tpu.memory_space<vmem>>, %arg2: memref<1024x64xf32, #tpu.memory_space<vmem>>, %arg3: memref<1024x1xf32, #tpu.memory_space<vmem>>, %arg4: memref<1024x64xf32, #tpu.memory_space<vmem>>) attributes {dimension_semantics = [#tpu.dimension_semantics<arbitrary>], iteration_bounds = array<i64: 10>, scalar_prefetch = 0 : i64, scratch_operands = 0 : i64, tpu.core_type = #tpu.core_type<tc>, window_params = [{transform_indices = @transform_0, window_bounds = array<i64: 2, 1024, 64>}, {transform_indices = @transform_1, window_bounds = array<i64: 1024, 64>}, {transform_indices = @transform_2, window_bounds = array<i64: 1024, 1>}, {transform_indices = @transform_3, window_bounds = array<i64: 1024, 64>}]} {
    %get3A = arith.constant 0 : index
    %get3A_0 = arith.constant 0 : index
    %get3A_1 = arith.constant 0 : index
    %get3A_2 = vector.load %arg1[%get3A, %get3A_0, %get3A_1] : memref<2x1024x64xf32, #tpu.memory_space<vmem>>, vector<1x1024x64xf32>
    %get3A_3 = vector.shape_cast %get3A_2 : vector<1x1024x64xf32> to vector<1024x64xf32>
    %get3A_4 = arith.constant 1 : index
    %get3A_5 = arith.constant 0 : index
    %get3A_6 = arith.constant 0 : index
    %get3A_7 = vector.load %arg1[%get3A_4, %get3A_5, %get3A_6] : memref<2x1024x64xf32, #tpu.memory_space<vmem>>, vector<1x1024x64xf32>
    %get3A_8 = vector.shape_cast %get3A_7 : vector<1x1024x64xf32> to vector<1024x64xf32>
    %add3A = arith.addf %get3A_3, %get3A_8 : vector<1024x64xf32>
    %get3A_9 = arith.constant 0 : index
    %get3A_10 = arith.constant 0 : index
    %get3A_11 = vector.load %arg2[%get3A_9, %get3A_10] : memref<1024x64xf32, #tpu.memory_space<vmem>>, vector<1024x64xf32>
    %add3A_12 = arith.addf %add3A, %get3A_11 : vector<1024x64xf32>
    %get3A_13 = arith.constant 0 : index
    %get3A_14 = arith.constant 0 : index
    %get3A_15 = vector.load %arg3[%get3A_13, %get3A_14] : memref<1024x1xf32, #tpu.memory_space<vmem>>, vector<1024x1xf32>
    %mul3A = vector.broadcast %get3A_15 : vector<1024x1xf32> to vector<1024x64xf32>
    %mul3A_16 = arith.mulf %add3A_12, %mul3A : vector<1024x64xf32>
    %swap3A = arith.constant 0 : index
    %swap3A_17 = arith.constant 0 : index
    %swap3A_18 = vector.load %arg4[%swap3A, %swap3A_17] : memref<1024x64xf32, #tpu.memory_space<vmem>>, vector<1024x64xf32>
    tpu.vector_store %arg4[%swap3A, %swap3A_17], %mul3A_16 {strides = array<i32>} : memref<1024x64xf32, #tpu.memory_space<vmem>>, vector<1024x64xf32>,
    return
  }
  func.func @transform_0(%arg0: i32) -> (i32, i32, i32) {
    %c0_i32 = arith.constant 0 : i32
    %c0_i32_0 = arith.constant 0 : i32
    %c0_i32_1 = arith.constant 0 : i32
    return %c0_i32, %arg0, %c0_i32_0 : i32, i32, i32
  }
  func.func @transform_1(%arg0: i32) -> (i32, i32) {
    %c0_i32 = arith.constant 0 : i32
    %c0_i32_0 = arith.constant 0 : i32
    return %arg0, %c0_i32 : i32, i32
  }
  func.func @transform_2(%arg0: i32) -> (i32, i32) {
    %c0_i32 = arith.constant 0 : i32
    %c0_i32_0 = arith.constant 0 : i32
    return %arg0, %c0_i32 : i32, i32
  }
  func.func @transform_3(%arg0: i32) -> (i32, i32) {
    %c0_i32 = arith.constant 0 : i32
    %c0_i32_0 = arith.constant 0 : i32
    return %arg0, %c0_i32 : i32, i32
  }
}

module attributes {stable_mosaic.version = 14 : i64} {
  func.func @body(%arg0: memref<2x640x64xf32, #tpu.memory_space<vmem>>, %arg1: memref<64x104xf32, #tpu.memory_space<vmem>>, %arg2: memref<512x104xf32, #tpu.memory_space<vmem>>) attributes {dimension_semantics = [], scalar_prefetch = 0 : i64, scratch_operands = 0 : i64, tpu.core_type = #tpu.core_type<tc>} {
    %get3A = arith.constant 0 : index
    %get3A_0 = arith.constant 0 : index
    %get3A_1 = arith.constant 0 : index
    %get3A_2 = vector.load %arg0[%get3A, %get3A_0, %get3A_1] : memref<2x640x64xf32, #tpu.memory_space<vmem>>, vector<1x512x64xf32>
    %get3A_3 = vector.shape_cast %get3A_2 : vector<1x512x64xf32> to vector<512x64xf32>
    %get3A_4 = arith.constant 1 : index
    %get3A_5 = arith.constant 0 : index
    %get3A_6 = arith.constant 0 : index
    %get3A_7 = vector.load %arg0[%get3A_4, %get3A_5, %get3A_6] : memref<2x640x64xf32, #tpu.memory_space<vmem>>, vector<1x512x64xf32>
    %get3A_8 = vector.shape_cast %get3A_7 : vector<1x512x64xf32> to vector<512x64xf32>
    %add3A = arith.addf %get3A_3, %get3A_8 : vector<512x64xf32>
    %get3A_9 = arith.constant 0 : index
    %get3A_10 = arith.constant 0 : index
    %get3A_11 = vector.load %arg1[%get3A_9, %get3A_10] : memref<64x104xf32, #tpu.memory_space<vmem>>, vector<64x104xf32>
    %dot_general3A = arith.constant dense<0.000000e+00> : vector<512x104xf32>
    %dot_general3A_12 = tpu.matmul %add3A, %get3A_11, %dot_general3A {dimension_numbers = #tpu.dot_dimension_numbers<[1], [0], [0], [1], [0, 0, 1, 1], [], []>, transpose_lhs_hint = false} : vector<512x64xf32>, vector<64x104xf32>, vector<512x104xf32> -> vector<512x104xf32>
    %swap3A = arith.constant 0 : index
    %swap3A_13 = arith.constant 0 : index
    %swap3A_14 = vector.load %arg2[%swap3A, %swap3A_13] : memref<512x104xf32, #tpu.memory_space<vmem>>, vector<512x104xf32>
    tpu.vector_store %arg2[%swap3A, %swap3A_13], %dot_general3A_12 {strides = array<i32>} : memref<512x104xf32, #tpu.memory_space<vmem>>, vector<512x104xf32>,
    return
  }
}

</mosaic_0001>

<sc_bundles>
// kernel: kernel.13.cloned.1.call-start
scs
__scs_entry_jumppad:
0x0: {  	(pc) =	sbr.rel $0x88, $3  }
0x1: {  	(tag) =	ssettag $0x0;
	lr =	simm.s32 $0x1  }
0x2: {  	[smem:$0x3F9B] =	sst lr;
	_ =	strace $0xD0000000  }
0x3: {  	_ = 	snop  }
0x4: {  	_ = 	snop  }
0x5: {  	_ = 	snop  }
0x6: {  	_ = 	snop  }
0x7: {  	_ = 	snop  }
__scs_overlays_trampoline_lowered:
0x8: {  	[smem:$0x3FAA] =	sst s0  }
0x9: {  	[smem:$0x3FAB] =	sst s1  }
0xa: {  	[smem:$0x3FAC] =	sst s2  }
0xb: {  	[smem:$0x3FAD] =	sst s3  }
0xc: {  	[smem:$0x3FAE] =	sst s4  }
0xd: {  	[smem:$0x3FAF] =	sst s5  }
0xe: {  	[smem:$0x3FB0] =	sst s6  }
0xf: {  	[smem:$0x3FB1] =	sst s7  }
0x10: {  	[smem:$0x3FB2] =	sst s8  }
0x11: {  	[smem:$0x3FB3] =	sst s9;
	s0 =	simm.s32 @!p0 $0x0  }
0x12: {  	s1 =	sld [smem:$0x3F99];
	s0 =	simm.s32 @p0 $0x1  }
0x13: {  	[smem:$0x3FB4] =	sst s0;
	s0 =	simm.s32 @!p1 $0x0  }
0x14: {  	s2 =	sld [smem:$0x3F98];
	s0 =	simm.s32 @p1 $0x1  }
0x15: {  	[smem:$0x3FB5] =	sst s0;
	s0 =	simm.s32 @!p2 $0x0  }
0x16: {  	s3 =	sld [smem:$0x3FDB];
	s0 =	simm.s32 @p2 $0x1  }
0x17: {  	s4 =	simm.s32 $0x1BF5;
	[smem:$0x3FB7] =	sst s0  }
0x18: {  	s0 =	sld [smem:$0x3F9A];
	_ =	swait.ge [sflag:s4], $0x0  }
0x19: {  	s7 =	sld [smem:$0x3F9B]  }
0x1a: {  	s8 =	sadd.s32 $0xFFFFE003, lr  }
0x1b: {  	s9 =	sadd.s32 $0xFFFFFEF7, lr;
	s5 =	simm.s32 $0xFFFFFFFF;
	p2 =	slt.u32 s8, $0xFFFFF086  }
0x1c: {  	p1 =	slt.u32 s9, $0xF7A;
	s5 =	simm.s32 @!p2 $0x0  }
0x1d: {  	s5 =	simm.s32 @p1 $0x1;
	p0 =	seq.s32 s7, s2  }
0x1e: {  	s7 =	smul.u32 @!p0 $0xF7A, s2;
	p2 =	seq.s32 @!p0 s5, $0x0  }
0x1f: {  	s9 =	smul.u32 $0xF7A, s1;
	s8 =	simm.s32 @!p0 $0x1BF5;
	p2 =	por !p2, p0  }
0x20: {  	[sflag:s8] =	ssyncset.s32 @!p0 $0xFFFFF086;
	s6 =	sadd.s32 @!p0 s3, s7;
	s7 =	simm.s32 @!p0 $0x108  }
0x21: {  	s3 =	sadd.s32 s3, s9;
	s6 =	sadd.s32 @!p0 $0x88, s6;
	s7 =	simm.s32 @p2 $0x1082  }
0x22: {  	[simem:s7], [sflag:s8] =	dma.local @!p0 [hbm:s6], $0xF7A  }
0x23: {  	s9 =	sor.u32 $0xD0000000, s2;
	s6 =	simm.s32 $0x108;
	_ =	swait.ge @!p0 [sflag:s8], $0x0  }
0x24: {  	s3 =	sadd.s32 $0x88, s3;
	s6 =	simm.s32 @!p1 $0x1082;
	[sflag:s4] =	ssyncset.s32 $0xFFFFF086  }
0x25: {  	[simem:s6], [sflag:s4] =	dma.local [hbm:s3], $0xF7A  }
0x26: {  	[smem:$0x3F9B] =	sst s1;
	(tag) =	ssettag s2;
	_ =	strace s9  }
0x27: {  	s1 =	sld [smem:$0x3FAB]  }
0x28: {  	s2 =	sld [smem:$0x3FAC]  }
0x29: {  	s4 =	sld [smem:$0x3FAE]  }
0x2a: {  	p0 =	seq.s32 s5, $0x0;
	s5 =	sld [smem:$0x3FAF]  }
0x2b: {  	s6 =	sld [smem:$0x3FB0]  }
0x2c: {  	s7 =	sld [smem:$0x3FB1]  }
0x2d: {  	s3 =	simm.s32 $0x108;
	s8 =	sld [smem:$0x3FB2]  }
0x2e: {  	s3 =	simm.s32 @!p0 $0x1082;
	s9 =	sld [smem:$0x3FB3]  }
0x2f: {  	lr =	sadd.s32 s0, s3;
	s0 =	sld [smem:$0x3FAA]  }
0x30: {  	s3 =	sld [smem:$0x3FAD]  }
0x31: {  	[smem:$0x3FB6] =	sst s10  }
0x32: {  	s10 =	sld [smem:$0x3FB4];
	_ =	sdelay $0x3  }
0x33: {  	p0 =	seq.s32 s10, $0x1;
	s10 =	sld [smem:$0x3FB6];
	_ =	sdelay $0x3  }
0x34: {  	[smem:$0x3FB6] =	sst s10  }
0x35: {  	s10 =	sld [smem:$0x3FB5];
	_ =	sdelay $0x3  }
0x36: {  	p1 =	seq.s32 s10, $0x1;
	s10 =	sld [smem:$0x3FB6];
	_ =	sdelay $0x3  }
0x37: {  	[smem:$0x3FB6] =	sst s10  }
0x38: {  	s10 =	sld [smem:$0x3FB7]  }
0x39: {  	_ = 	snop;
	(pc) =	sbr.ind lr, $3  }
0x3a: {  	_ = 	snop  }
0x3b: {  	_ = 	snop  }
0x3c: {  	p2 =	seq.s32 s10, $0x1;
	s10 =	sld [smem:$0x3FB6]  }
0x3d: {  	_ =	shalt  }
0x3e: {  	_ =	shalt  }
0x3f: {  	_ =	shalt  }
0x40: {  	_ =	shalt  }
0x41: {  	_ =	shalt  }
0x42: {  	_ =	shalt  }
0x43: {  	_ =	shalt  }
0x44: {  	_ =	shalt  }
0x45: {  	_ =	shalt  }
0x46: {  	_ =	shalt  }
0x47: {  	_ =	shalt  }
0x48: {  	_ =	shalt  }
0x49: {  	_ =	shalt  }
0x4a: {  	_ =	shalt  }
0x4b: {  	_ =	shalt  }
0x4c: {  	_ =	shalt  }
0x4d: {  	_ =	shalt  }
0x4e: {  	_ =	shalt  }
0x4f: {  	_ =	shalt  }
0x50: {  	_ =	shalt  }
0x51: {  	_ =	shalt  }
0x52: {  	_ =	shalt  }
0x53: {  	_ =	shalt  }
0x54: {  	_ =	shalt  }
0x55: {  	_ =	shalt  }
0x56: {  	_ =	shalt  }
0x57: {  	_ =	shalt  }
0x58: {  	_ =	shalt  }
0x59: {  	_ =	shalt  }
0x5a: {  	_ =	shalt  }
0x5b: {  	_ =	shalt  }
0x5c: {  	_ =	shalt  }
0x5d: {  	_ =	shalt  }
0x5e: {  	_ =	shalt  }
0x5f: {  	_ =	shalt  }
0x60: {  	_ =	shalt  }
0x61: {  	_ =	shalt  }
0x62: {  	_ =	shalt  }
0x63: {  	_ =	shalt  }
0x64: {  	_ =	shalt  }
0x65: {  	_ =	shalt  }
0x66: {  	_ =	shalt  }
0x67: {  	_ =	shalt  }
0x68: {  	_ =	shalt  }
0x69: {  	_ =	shalt  }
0x6a: {  	_ =	shalt  }
0x6b: {  	_ =	shalt  }
0x6c: {  	_ =	shalt  }
0x6d: {  	_ =	shalt  }
0x6e: {  	_ =	shalt  }
0x6f: {  	_ =	shalt  }
0x70: {  	_ =	shalt  }
0x71: {  	_ =	shalt  }
0x72: {  	_ =	shalt  }
0x73: {  	_ =	shalt  }
0x74: {  	_ =	shalt  }
0x75: {  	_ =	shalt  }
0x76: {  	_ =	shalt  }
0x77: {  	_ =	shalt  }
0x78: {  	_ =	shalt  }
0x79: {  	_ =	shalt  }
0x7a: {  	_ =	shalt  }
0x7b: {  	_ =	shalt  }
0x7c: {  	_ =	shalt  }
0x7d: {  	_ =	shalt  }
0x7e: {  	_ =	shalt  }
0x7f: {  	_ =	shalt  }
0x80: {  	_ =	shalt  }
0x81: {  	_ =	shalt  }
0x82: {  	_ =	shalt  }
0x83: {  	_ =	shalt  }
0x84: {  	_ =	shalt  }
0x85: {  	_ =	shalt  }
0x86: {  	_ =	shalt  }
0x87: {  	_ =	shalt  }
.Lfunc_end0:
.L_simem_size_0:
called_computation_lowered:
.L_overlay_start_0:
0x88: {  	s2 =	sld [smem:$0x3FD9]  }
0x89: {  	s3 =	sld [smem:$0x3FFE];
	_ =	sdelay $0x1  }
0x8a: {  	s1 =	srdreg.scid  }
0x8b: {  	s0 =	sand.u32 $0x1, s1  }
0x8c: {  	s17 =	sshll.u32 s0, $0xA;
	s2 =	sadd.s32 s3, s2  }
0x8d: {  	s2 =	sadd.s32 s2, s17  }
0x8e: {  	[smem:$0x3FC2] =	sst s2  }
0x8f: {  	_ = 	snop  }
0x90: {  	s2 =	sld [smem:$0x3FD0];
	(tm) =	ssettm $0x1  }
0x91: {  	s18 =	sld [smem:$0x3FFB];
	_ =	sdelay $0x3  }
0x92: {  	_ =	strace s18  }
0x93: {  	s3 =	sld [smem:$0x3FFC];
	_ =	sdelay $0x3  }
0x94: {  	_ =	strace s3  }
0x95: {  	s3 =	sld [smem:$0x3FFD];
	_ =	sdelay $0x3  }
0x96: {  	_ =	strace s3  }
0x97: {  	_ =	strace $0x8FFFFFFF  }
0x98: {  	s19 =	sld [smem:$0x3FDB];
	_ =	sdelay $0x1  }
0x99: {  	s4 =	simm.s32 $_scs_section_size  }
0x9a: {  	s5 =	simm.s32 $_size__tile_overlayer_lowered;
	s6 =	simm.s32 $_tile_overlayer_lowered  }
0x9b: {  	s22 =	simm.s32 $0x1BFF;
	s21 =	sshll.u32 s6, $0x1;
	s3 =	sadd.s32 s4, s19  }
0x9c: {  	s7 =	simm.s32 $0x0;
	s20 =	sshll.u32 s5, $0x1;
	s5 =	sadd.s32 s21, s3  }
0x9d: {  	[timem:s7], [sflag:s22] =	dma.local [hbm:s5], s20  }
0x9e: {  	_ =	swait.ge [sflag:s22], s20  }
0x9f: {  	s4 =	ssub.s32 $0x0, s20;
	[sflag:s22] =	ssyncset.done $0x0  }
0xa0: {  	[sflag:s22] =	ssyncadd.s32 s4;
	_ =	sdelay $0x1  }
0xa1: {  	s23 =	simm.s32 $0x1B8B  }
0xa2: {  	_ =	swait.ge [sflag:s23], $0x1  }
0xa3: {  	[sflag:s23] =	ssyncset.done $0x0  }
0xa4: {  	s25 =	simm.s32 $0x1B8E;
	s24 =	sld [smem:$0x3FFE];
	[sflag:s23] =	ssyncadd.s32 $0xFFFFFFFF  }
0xa5: {  	s26 =	simm.s32 $execute0_lowered;
	[smem:$0x3FD2] =	sst s25  }
0xa6: {  	s5 =	sshll.u32 s26, $0x1;
	_ =	strace $0x80000046;
	[dreg:$0x1] =	wrdreg $0xFFFFFFFF  }
0xa7: {  	s28 =	simm.s32 $_size_execute0_lowered;
	s3 =	sadd.s32 s3, s5;
	[dreg:$0x0] =	wrdreg $0x0  }
0xa8: {  	s5 =	sshll.u32 s28, $0x1;
	[dreg:$0x2] =	wrdreg s3  }
0xa9: {  	[dreg:$0x3] =	wrdreg s5  }
0xaa: {  	[dreg:$0x4] =	wrdreg $0xC0  }
0xab: {  	_ =	task [dreg:s7], $0x5FFFF  }
0xac: {  	[dreg:$0x1] =	wrdreg $0xFFFFFFFF  }
0xad: {  	[dreg:$0x0] =	wrdreg $0x60  }
0xae: {  	[dreg:$0x2] =	wrdreg s2  }
0xaf: {  	[dreg:$0x3] =	wrdreg s24  }
0xb0: {  	[dreg:$0x4] =	wrdreg $0x1C000  }
0xb1: {  	[dreg:$0x5] =	wrdreg $0x9  }
0xb2: {  	_ =	task.clear_ibuf [dreg:s7], $0x6FFFF;
	_ =	strace $0x90000046  }
0xb3: {  	s29 =	simm.s32 $0x9;
	_ =	strace $0x80000048  }
0xb4: {  	_ =	swait.ge [sflag:s29], $0x1  }
0xb5: {  	[sflag:s29] =	ssyncadd.s32 $0xFFFFFFFF  }
0xb6: {  	_ =	strace $0x90000048  }
0xb7: {  	_ =	sfence  }
0xb8: {  	s30 =	sld [smem:$0x0];
	_ =	sdelay $0x2  }
0xb9: {  	s31 =	sshll.u32 s1, $0xD;
	s1 =	sshrl.u32 s1, $0x2  }
0xba: {  	s3 =	sand.u32 $0x4000, s31;
	s1 =	sadd.s32 s1, s30  }
0xbb: {  	s0 =	sor.u32 s3, s0;
	s1 =	sshll.u32 s1, $0x11  }
0xbc: {  	s0 =	sor.u32 s1, s0  }
0xbd: {  	s0 =	sadd.s32 $0x8F2B, s0  }
0xbe: {  	[sflag:s0] =	ssyncadd.remote.s32 $0x1  }
0xbf: {  	_ =	sfence.sel $0xFFFF  }
0xc0: {  	[dreg:$0x0] =	wrdreg $0xFFFFFFFF;
	(pc) =	sbr.abs _section_cstart, $3  }
0xc1: {  	[dreg:$0x1] =	wrdreg $0xFFFFFFFF  }
0xc2: {  	_ =	task.clear_ibuf [dreg:s7], $0x2FFFF;
	_ =	strace $0x9FFFFFFF  }
0xc3: {  	(tm) =	ssettm $0x7FFFFFFF  }
tec
execute0_lowered:
.L_overlay_start_1:
0x0: {  	(tag) =	ssettag $0x1  }
0x1: {  	s1 =	rddreg [dreg:$0x0]  }
0x2: {  	s0 =	srdreg.scid;
	s6 =	rddreg [dreg:$0x1]  }
0x3: {  	s3 =	rddreg [dreg:$0x2];
	s4 =	simm.s32 $0x0;
	s13 =	simm.s32 $0x80  }
0x4: {  	s14 =	simm.s32 $0x0;
	s5 =	sand.u32 $0x1, s0;
	s0 =	stileid.u32  }
0x5: {  	[smem:$0x7FF] =	sst s4;
	s2 =	sshll.u32 s5, $0x4;
	s8 =	smul.u32 $0x2800, s0  }
0x6: {  	s9 =	smul.u32 $0x28000, s5;
	s5 =	ssub.s32 $0x2, s5;
	s2 =	sor.u32 s0, s2  }
0x7: {  	s31 =	sshll.u32 s0, $0x6;
	s11 =	sshrl.u32 s5, $0x1;
	s7 =	smul.u32 $0x280, s2  }
0x8: {  	s2 =	rddreg [dreg:$0x3];
	_ =	strace $0x80000047;
	s9 =	sadd.s32 s8, s9  }
0x9: {  	s10 =	sshrl.u32 s8, $0x3;
	s11 =	ssub.s32 s5, s11;
	s12 =	sadd.s32 s8, s3  }
0xa: {  	s9 =	sshrl.u32 s9, $0x3;
	s10 =	sadd.s32 s10, s6;
	s7 =	sadd.s32 s7, s6  }
0xb: {  	s9 =	sadd.s32 s9, s6;
	s5 =	sadd.s32 $0x6800, s10;
	s6 =	sor.u32 $0x1C01, s31  }
0xc: {  	s10 =	sshrl.u32 s12, $0x3;
	s12 =	simm.s32 $0x1400;
	s7 =	sadd.s32 $0x1800, s7  }
0xd: {  	s8 =	sadd.s32 $0xB800, s9;
	s9 =	smax.u32 s11, $0x1;
	s11 =	simm.s32 $0x1  }
.LBB2_1:
0xe: {  	[spmem:s10], [sflag:s6] =	dma.local [hbm:s5], $0x500  }
0xf: {  	_ =	swait.ge [sflag:s11], $0x500  }
0x10: {  	[sflag:s11] =	ssyncset.done $0x0  }
0x11: {  	[sflag:s11] =	ssyncadd.s32 $0xFFFFFB00  }
0x12: {  	[tilespmem:s4], [sflag:$0x1] =	stream.linear.gather [hbm4b:s7+s4], $0x1400, $0x38;
	[tilespmem:$0x4400] =	vst v63  }
0x13: {  	_ =	swait.ge [sflag:s11], $0x1400  }
0x14: {  	[sflag:s11] =	ssyncset.done $0x0  }
0x15: {  	[sflag:s11] =	ssyncadd.s32 $0xFFFFEC00  }
0x16: {  	[tilespmem:s12], [sflag:$0x1] =	stream.linear.gather [hbm4b:s1+s4], $0x800, $0x38;
	[tilespmem:$0x4400] =	vst v63  }
0x17: {  	_ =	swait.ge [sflag:s11], $0x800  }
0x18: {  	[sflag:s11] =	ssyncset.done $0x0  }
0x19: {  	[sflag:s11] =	ssyncadd.s32 $0xFFFFF800  }
0x1a: {  	s15 =	simm.s32 $0x0;
	[bflag:$0x0] =	sbarrier.arrive $0xFFFF  }
0x1b: {  	[spmem:s3] =	stream.indirect.scatter.add.f32 [tilespmem:s12], [sflag:$0x1], $0x10, s15, s13, $0xb8;
	[tilespmem:$0x4400] =	vst v63  }
0x1c: {  	_ =	swait.ge [sflag:s11], $0x800  }
0x1d: {  	s15 =	simm.s32 $0x200;
	[sflag:s11] =	ssyncset.done $0x0  }
.LBB2_2:
0x1e: {  	s16 =	sshra.s32 s15, $0x2;
	[sflag:s11] =	ssyncadd.s32 $0xFFFFF800;
	p0 =	sne.s32 s15, $0x4E00  }
0x1f: {  	[spmem:s3] =	stream.indirect.scatter.add.f32 [tilespmem:s12], [sflag:$0x1], $0x10, s16, s13, $0xb8;
	[tilespmem:$0x4400] =	vst v63  }
.Ltmp0:
0x20: {  	_ = 	snop;
	(pc) =	sbr.rel @p0 .LBB2_2-.Ltmp0, $4  }
0x21: {  	_ = 	snop  }
0x22: {  	s15 =	sadd.s32 $0x200, s15  }
0x23: {  	_ =	swait.ge [sflag:s11], $0x800  }
0x24: {  	[sflag:s11] =	ssyncset.done $0x0  }
0x25: {  	s14 =	sadd.s32 $0x1, s14  }
0x26: {  	[sflag:s11] =	ssyncadd.s32 $0xFFFFF800;
	p0 =	sne.s32 s14, s9  }
.Ltmp1:
0x27: {  	[bflag:$0x0] =	sbarrier.arrive $0xFFFF;
	(pc) =	sbr.rel @p0 .LBB2_1-.Ltmp1, $4  }
0x28: {  	[hbm:s8], [sflag:s6] =	dma.local [spmem:s10], $0x500  }
0x29: {  	_ =	swait.ge [sflag:s11], $0x500  }
0x2a: {  	[sflag:s11] =	ssyncset.done $0x0  }
0x2b: {  	[sflag:s11] =	ssyncadd.s32 $0xFFFFFB00  }
0x2c: {  	_ =	sfence.sel $0x180000  }
0x2d: {  	[bflag:$0x0] =	sbarrier.arrive $0xFFFF  }
0x2e: {  	p0 =	sne.s32 s0, $0x0;
	_ =	strace $0x90000047  }
0x2f: {  	s0 =	sadd.s32 @!p0 $0x100000, s2;
	[bflag:$0x2] =	sbarrier.arrive $0xFFFF  }
0x30: {  	[sflag:s0] =	ssyncadd.tile.s32 @!p0 $0x1;
	_ =	shalt  }
.Lfunc_end2:
_tile_overlayer_lowered:
.L_overlay_start_2:
0x31: {  	(tag) =	ssettag $0x2  }
0x32: {  	s0 =	rddreg [dreg:$0x0];
	s2 =	stileid.u32  }
0x33: {  	s1 =	rddreg [dreg:$0x1];
	p0 =	sne.s32 s2, $0x0  }
0x34: {  	s3 =	rddreg [dreg:$0x2];
	[bflag:$0x3] =	sbarrier.arrive $0xFFFF;
	s2 =	simm.s32 @!p0 $0x1C01  }
0x35: {  	[timem:s3], [sflag:s2] =	dma.local @!p0 [hbm:s0], s1  }
0x36: {  	s0 =	simm.s32 @!p0 $0x1  }
0x37: {  	_ =	swait.ge @!p0 [sflag:s0], s1  }
0x38: {  	s1 =	ssub.s32 @!p0 $0x0, s1;
	[sflag:s0] =	ssyncset.done @!p0 $0x0  }
0x39: {  	[sflag:s0] =	ssyncadd.s32 @!p0 s1  }
0x3a: {  	[bflag:$0x3] =	sbarrier.arrive $0xFFFF  }
0x3b: {  	_ =	shalt  }

// kernel: kernel.16.cloned.1.call-start
scs
__scs_entry_jumppad:
0x0: {  	(pc) =	sbr.rel $0x88, $3  }
0x1: {  	(tag) =	ssettag $0x0;
	lr =	simm.s32 $0x1  }
0x2: {  	[smem:$0x3F9B] =	sst lr;
	_ =	strace $0xD0000000  }
0x3: {  	_ = 	snop  }
0x4: {  	_ = 	snop  }
0x5: {  	_ = 	snop  }
0x6: {  	_ = 	snop  }
0x7: {  	_ = 	snop  }
__scs_overlays_trampoline_lowered:
0x8: {  	[smem:$0x3FAA] =	sst s0  }
0x9: {  	[smem:$0x3FAB] =	sst s1  }
0xa: {  	[smem:$0x3FAC] =	sst s2  }
0xb: {  	[smem:$0x3FAD] =	sst s3  }
0xc: {  	[smem:$0x3FAE] =	sst s4  }
0xd: {  	[smem:$0x3FAF] =	sst s5  }
0xe: {  	[smem:$0x3FB0] =	sst s6  }
0xf: {  	[smem:$0x3FB1] =	sst s7  }
0x10: {  	[smem:$0x3FB2] =	sst s8  }
0x11: {  	[smem:$0x3FB3] =	sst s9;
	s0 =	simm.s32 @!p0 $0x0  }
0x12: {  	s1 =	sld [smem:$0x3F99];
	s0 =	simm.s32 @p0 $0x1  }
0x13: {  	[smem:$0x3FB4] =	sst s0;
	s0 =	simm.s32 @!p1 $0x0  }
0x14: {  	s2 =	sld [smem:$0x3F98];
	s0 =	simm.s32 @p1 $0x1  }
0x15: {  	[smem:$0x3FB5] =	sst s0;
	s0 =	simm.s32 @!p2 $0x0  }
0x16: {  	s3 =	sld [smem:$0x3FDB];
	s0 =	simm.s32 @p2 $0x1  }
0x17: {  	s4 =	simm.s32 $0x1BF5;
	[smem:$0x3FB7] =	sst s0  }
0x18: {  	s0 =	sld [smem:$0x3F9A];
	_ =	swait.ge [sflag:s4], $0x0  }
0x19: {  	s7 =	sld [smem:$0x3F9B]  }
0x1a: {  	s8 =	sadd.s32 $0xFFFFE003, lr  }
0x1b: {  	s9 =	sadd.s32 $0xFFFFFEF7, lr;
	s5 =	simm.s32 $0xFFFFFFFF;
	p2 =	slt.u32 s8, $0xFFFFF086  }
0x1c: {  	p1 =	slt.u32 s9, $0xF7A;
	s5 =	simm.s32 @!p2 $0x0  }
0x1d: {  	s5 =	simm.s32 @p1 $0x1;
	p0 =	seq.s32 s7, s2  }
0x1e: {  	s7 =	smul.u32 @!p0 $0xF7A, s2;
	p2 =	seq.s32 @!p0 s5, $0x0  }
0x1f: {  	s9 =	smul.u32 $0xF7A, s1;
	s8 =	simm.s32 @!p0 $0x1BF5;
	p2 =	por !p2, p0  }
0x20: {  	[sflag:s8] =	ssyncset.s32 @!p0 $0xFFFFF086;
	s6 =	sadd.s32 @!p0 s3, s7;
	s7 =	simm.s32 @!p0 $0x108  }
0x21: {  	s3 =	sadd.s32 s3, s9;
	s6 =	sadd.s32 @!p0 $0x88, s6;
	s7 =	simm.s32 @p2 $0x1082  }
0x22: {  	[simem:s7], [sflag:s8] =	dma.local @!p0 [hbm:s6], $0xF7A  }
0x23: {  	s9 =	sor.u32 $0xD0000000, s2;
	s6 =	simm.s32 $0x108;
	_ =	swait.ge @!p0 [sflag:s8], $0x0  }
0x24: {  	s3 =	sadd.s32 $0x88, s3;
	s6 =	simm.s32 @!p1 $0x1082;
	[sflag:s4] =	ssyncset.s32 $0xFFFFF086  }
0x25: {  	[simem:s6], [sflag:s4] =	dma.local [hbm:s3], $0xF7A  }
0x26: {  	[smem:$0x3F9B] =	sst s1;
	(tag) =	ssettag s2;
	_ =	strace s9  }
0x27: {  	s1 =	sld [smem:$0x3FAB]  }
0x28: {  	s2 =	sld [smem:$0x3FAC]  }
0x29: {  	s4 =	sld [smem:$0x3FAE]  }
0x2a: {  	p0 =	seq.s32 s5, $0x0;
	s5 =	sld [smem:$0x3FAF]  }
0x2b: {  	s6 =	sld [smem:$0x3FB0]  }
0x2c: {  	s7 =	sld [smem:$0x3FB1]  }
0x2d: {  	s3 =	simm.s32 $0x108;
	s8 =	sld [smem:$0x3FB2]  }
0x2e: {  	s3 =	simm.s32 @!p0 $0x1082;
	s9 =	sld [smem:$0x3FB3]  }
0x2f: {  	lr =	sadd.s32 s0, s3;
	s0 =	sld [smem:$0x3FAA]  }
0x30: {  	s3 =	sld [smem:$0x3FAD]  }
0x31: {  	[smem:$0x3FB6] =	sst s10  }
0x32: {  	s10 =	sld [smem:$0x3FB4];
	_ =	sdelay $0x3  }
0x33: {  	p0 =	seq.s32 s10, $0x1;
	s10 =	sld [smem:$0x3FB6];
	_ =	sdelay $0x3  }
0x34: {  	[smem:$0x3FB6] =	sst s10  }
0x35: {  	s10 =	sld [smem:$0x3FB5];
	_ =	sdelay $0x3  }
0x36: {  	p1 =	seq.s32 s10, $0x1;
	s10 =	sld [smem:$0x3FB6];
	_ =	sdelay $0x3  }
0x37: {  	[smem:$0x3FB6] =	sst s10  }
0x38: {  	s10 =	sld [smem:$0x3FB7]  }
0x39: {  	_ = 	snop;
	(pc) =	sbr.ind lr, $3  }
0x3a: {  	_ = 	snop  }
0x3b: {  	_ = 	snop  }
0x3c: {  	p2 =	seq.s32 s10, $0x1;
	s10 =	sld [smem:$0x3FB6]  }
0x3d: {  	_ =	shalt  }
0x3e: {  	_ =	shalt  }
0x3f: {  	_ =	shalt  }
0x40: {  	_ =	shalt  }
0x41: {  	_ =	shalt  }
0x42: {  	_ =	shalt  }
0x43: {  	_ =	shalt  }
0x44: {  	_ =	shalt  }
0x45: {  	_ =	shalt  }
0x46: {  	_ =	shalt  }
0x47: {  	_ =	shalt  }
0x48: {  	_ =	shalt  }
0x49: {  	_ =	shalt  }
0x4a: {  	_ =	shalt  }
0x4b: {  	_ =	shalt  }
0x4c: {  	_ =	shalt  }
0x4d: {  	_ =	shalt  }
0x4e: {  	_ =	shalt  }
0x4f: {  	_ =	shalt  }
0x50: {  	_ =	shalt  }
0x51: {  	_ =	shalt  }
0x52: {  	_ =	shalt  }
0x53: {  	_ =	shalt  }
0x54: {  	_ =	shalt  }
0x55: {  	_ =	shalt  }
0x56: {  	_ =	shalt  }
0x57: {  	_ =	shalt  }
0x58: {  	_ =	shalt  }
0x59: {  	_ =	shalt  }
0x5a: {  	_ =	shalt  }
0x5b: {  	_ =	shalt  }
0x5c: {  	_ =	shalt  }
0x5d: {  	_ =	shalt  }
0x5e: {  	_ =	shalt  }
0x5f: {  	_ =	shalt  }
0x60: {  	_ =	shalt  }
0x61: {  	_ =	shalt  }
0x62: {  	_ =	shalt  }
0x63: {  	_ =	shalt  }
0x64: {  	_ =	shalt  }
0x65: {  	_ =	shalt  }
0x66: {  	_ =	shalt  }
0x67: {  	_ =	shalt  }
0x68: {  	_ =	shalt  }
0x69: {  	_ =	shalt  }
0x6a: {  	_ =	shalt  }
0x6b: {  	_ =	shalt  }
0x6c: {  	_ =	shalt  }
0x6d: {  	_ =	shalt  }
0x6e: {  	_ =	shalt  }
0x6f: {  	_ =	shalt  }
0x70: {  	_ =	shalt  }
0x71: {  	_ =	shalt  }
0x72: {  	_ =	shalt  }
0x73: {  	_ =	shalt  }
0x74: {  	_ =	shalt  }
0x75: {  	_ =	shalt  }
0x76: {  	_ =	shalt  }
0x77: {  	_ =	shalt  }
0x78: {  	_ =	shalt  }
0x79: {  	_ =	shalt  }
0x7a: {  	_ =	shalt  }
0x7b: {  	_ =	shalt  }
0x7c: {  	_ =	shalt  }
0x7d: {  	_ =	shalt  }
0x7e: {  	_ =	shalt  }
0x7f: {  	_ =	shalt  }
0x80: {  	_ =	shalt  }
0x81: {  	_ =	shalt  }
0x82: {  	_ =	shalt  }
0x83: {  	_ =	shalt  }
0x84: {  	_ =	shalt  }
0x85: {  	_ =	shalt  }
0x86: {  	_ =	shalt  }
0x87: {  	_ =	shalt  }
.Lfunc_end0:
.L_simem_size_0:
called_computation.1_lowered:
.L_overlay_start_0:
0x88: {  	s2 =	sld [smem:$0x3FD9]  }
0x89: {  	s3 =	sld [smem:$0x3FFE];
	_ =	sdelay $0x1  }
0x8a: {  	s1 =	srdreg.scid  }
0x8b: {  	s0 =	sand.u32 $0x1, s1  }
0x8c: {  	s16 =	sshll.u32 s0, $0xA;
	s2 =	sadd.s32 s3, s2  }
0x8d: {  	s2 =	sadd.s32 s2, s16  }
0x8e: {  	[smem:$0x3FC2] =	sst s2  }
0x8f: {  	_ = 	snop  }
0x90: {  	(tm) =	ssettm $0x1  }
0x91: {  	s17 =	sld [smem:$0x3FFB];
	_ =	sdelay $0x3  }
0x92: {  	_ =	strace s17  }
0x93: {  	s2 =	sld [smem:$0x3FFC];
	_ =	sdelay $0x3  }
0x94: {  	_ =	strace s2  }
0x95: {  	s2 =	sld [smem:$0x3FFD];
	_ =	sdelay $0x3  }
0x96: {  	_ =	strace s2  }
0x97: {  	_ =	strace $0x8FFFFFFF  }
0x98: {  	s18 =	sld [smem:$0x3FDB];
	_ =	sdelay $0x1  }
0x99: {  	s19 =	simm.s32 $_scs_section_size  }
0x9a: {  	s4 =	simm.s32 $_size__tile_overlayer_lowered;
	s5 =	simm.s32 $_tile_overlayer_lowered  }
0x9b: {  	s22 =	simm.s32 $0x1BFF;
	s21 =	sshll.u32 s5, $0x1;
	s2 =	sadd.s32 s19, s18  }
0x9c: {  	s6 =	simm.s32 $0x0;
	s20 =	sshll.u32 s4, $0x1;
	s4 =	sadd.s32 s21, s2  }
0x9d: {  	[timem:s6], [sflag:s22] =	dma.local [hbm:s4], s20  }
0x9e: {  	_ =	swait.ge [sflag:s22], s20  }
0x9f: {  	s3 =	ssub.s32 $0x0, s20;
	[sflag:s22] =	ssyncset.done $0x0  }
0xa0: {  	[sflag:s22] =	ssyncadd.s32 s3;
	_ =	sdelay $0x1  }
0xa1: {  	s23 =	simm.s32 $0x1B8B  }
0xa2: {  	_ =	swait.ge [sflag:s23], $0x1  }
0xa3: {  	[sflag:s23] =	ssyncset.done $0x0  }
0xa4: {  	s25 =	simm.s32 $0x1B8E;
	s24 =	sld [smem:$0x3FFE];
	[sflag:s23] =	ssyncadd.s32 $0xFFFFFFFF  }
0xa5: {  	s26 =	simm.s32 $execute0_lowered;
	[smem:$0x3FD2] =	sst s25  }
0xa6: {  	s4 =	sshll.u32 s26, $0x1;
	_ =	strace $0x80000049;
	[dreg:$0x1] =	wrdreg $0xFFFFFFFF  }
0xa7: {  	s28 =	simm.s32 $_size_execute0_lowered;
	s2 =	sadd.s32 s2, s4;
	[dreg:$0x0] =	wrdreg $0x0  }
0xa8: {  	s4 =	sshll.u32 s28, $0x1;
	[dreg:$0x2] =	wrdreg s2  }
0xa9: {  	[dreg:$0x3] =	wrdreg s4  }
0xaa: {  	[dreg:$0x4] =	wrdreg $0xC0  }
0xab: {  	_ =	task [dreg:s6], $0x5FFFF  }
0xac: {  	[dreg:$0x1] =	wrdreg $0xFFFFFFFF  }
0xad: {  	[dreg:$0x0] =	wrdreg $0x60  }
0xae: {  	[dreg:$0x2] =	wrdreg s24  }
0xaf: {  	[dreg:$0x3] =	wrdreg $0x38000  }
0xb0: {  	[dreg:$0x4] =	wrdreg $0x9  }
0xb1: {  	_ =	task.clear_ibuf [dreg:s6], $0x5FFFF;
	_ =	strace $0x90000049  }
0xb2: {  	s29 =	simm.s32 $0x9;
	_ =	strace $0x8000004B  }
0xb3: {  	_ =	swait.ge [sflag:s29], $0x1  }
0xb4: {  	[sflag:s29] =	ssyncadd.s32 $0xFFFFFFFF  }
0xb5: {  	_ =	strace $0x9000004B  }
0xb6: {  	_ =	sfence  }
0xb7: {  	s30 =	sld [smem:$0x0];
	_ =	sdelay $0x2  }
0xb8: {  	s31 =	sshll.u32 s1, $0xD;
	s1 =	sshrl.u32 s1, $0x2  }
0xb9: {  	s3 =	sand.u32 $0x4000, s31;
	s1 =	sadd.s32 s1, s30  }
0xba: {  	s0 =	sor.u32 s3, s0;
	s1 =	sshll.u32 s1, $0x11  }
0xbb: {  	s0 =	sor.u32 s1, s0  }
0xbc: {  	s0 =	sadd.s32 $0x8F2B, s0  }
0xbd: {  	[sflag:s0] =	ssyncadd.remote.s32 $0x1  }
0xbe: {  	_ =	sfence.sel $0xFFFF  }
0xbf: {  	[dreg:$0x0] =	wrdreg $0xFFFFFFFF;
	(pc) =	sbr.abs _section_cstart, $3  }
0xc0: {  	[dreg:$0x1] =	wrdreg $0xFFFFFFFF  }
0xc1: {  	_ =	task.clear_ibuf [dreg:s6], $0x2FFFF;
	_ =	strace $0x9FFFFFFF  }
0xc2: {  	(tm) =	ssettm $0x7FFFFFFF  }
0xc3: {  	_ =	shalt  }
tec
execute0_lowered:
.L_overlay_start_1:
0x0: {  	(tag) =	ssettag $0x1  }
0x1: {  	s6 =	rddreg [dreg:$0x0]  }
0x2: {  	s0 =	srdreg.scid;
	s2 =	rddreg [dreg:$0x1]  }
0x3: {  	s3 =	simm.s32 $0x0;
	s14 =	simm.s32 $0x80;
	s15 =	simm.s32 $0x2800  }
0x4: {  	s16 =	simm.s32 $0x1;
	s5 =	sand.u32 $0x1, s0;
	s0 =	stileid.u32  }
0x5: {  	s17 =	simm.s32 $0x0;
	[smem:$0x7FF] =	sst s3;
	s8 =	smul.u32 $0x5000, s0  }
0x6: {  	s4 =	sadd.s32 $0x6800, s6;
	s1 =	sshll.u32 s5, $0x4;
	s9 =	smul.u32 $0x50000, s5  }
0x7: {  	s5 =	ssub.s32 $0x2, s5;
	s31 =	sshll.u32 s0, $0x6;
	s1 =	sor.u32 s0, s1  }
0x8: {  	s11 =	sshrl.u32 s5, $0x1;
	s7 =	smul.u32 $0x280, s1;
	s1 =	rddreg [dreg:$0x2]  }
0x9: {  	_ =	strace $0x8000004A;
	s29 =	sadd.s32 s8, s9;
	s30 =	sshrl.u32 s8, $0x3  }
0xa: {  	s11 =	ssub.s32 s5, s11;
	s13 =	sadd.s32 s8, s2;
	s9 =	sadd.s32 s30, s6  }
0xb: {  	s10 =	sadd.s32 s7, s6;
	s7 =	sshrl.u32 s29, $0x3;
	s5 =	sadd.s32 $0x1A800, s9  }
0xc: {  	s12 =	sadd.s32 s7, s6;
	s6 =	sor.u32 $0x1C02, s31;
	s7 =	sadd.s32 $0x1800, s10  }
0xd: {  	s8 =	sadd.s32 $0x15800, s10;
	s10 =	smax.u32 s11, $0x1;
	s11 =	sshrl.u32 s13, $0x3  }
0xe: {  	s13 =	simm.s32 $0x1400;
	s9 =	sadd.s32 $0x24800, s12;
	s12 =	simm.s32 $0x2  }
.LBB2_1:
0xf: {  	[spmem:s11], [sflag:s6] =	dma.local [hbm:s5], $0xA00  }
0x10: {  	_ =	swait.ge [sflag:s12], $0xA00  }
0x11: {  	[sflag:s12] =	ssyncset.done $0x0  }
0x12: {  	[sflag:s12] =	ssyncadd.s32 $0xFFFFF600  }
0x13: {  	[tilespmem:s13], [sflag:$0x2] =	stream.linear.gather [hbm4b:s7+s3], $0x1400, $0x38;
	[tilespmem:$0x8800] =	vst v63  }
0x14: {  	_ =	swait.ge [sflag:s12], $0x1400  }
0x15: {  	[sflag:s12] =	ssyncset.done $0x0  }
0x16: {  	[sflag:s12] =	ssyncadd.s32 $0xFFFFEC00  }
0x17: {  	[tilespmem:s3], [sflag:$0x2] =	stream.linear.gather [hbm4b:s8+s3], $0x1400, $0x38;
	[tilespmem:$0x8800] =	vst v63  }
0x18: {  	_ =	swait.ge [sflag:s12], $0x1400  }
0x19: {  	[sflag:s12] =	ssyncset.done $0x0  }
0x1a: {  	[sflag:s12] =	ssyncadd.s32 $0xFFFFEC00  }
0x1b: {  	s18 =	simm.s32 $0x0;
	[bflag:$0x0] =	sbarrier.arrive $0xFFFF  }
0x1c: {  	[tilespmem:s15], [sflag:$0x1] =	stream.indirect.gather [hbm4b:s4+s14], $0x20, s18, s14, $0xb8;
	[tilespmem:$0x8800] =	vst v63  }
0x1d: {  	_ =	swait.ge [sflag:s16], $0x1000  }
0x1e: {  	[sflag:s16] =	ssyncset.done $0x0  }
0x1f: {  	s31 =	simm.s32 $0x1400;
	[sflag:s16] =	ssyncadd.s32 $0xFFFFF000  }
0x20: {  	[spmem:s2] =	stream.indirect.scatter.add.f32 [tilespmem:s15], [sflag:$0x2], $0x20, s31, s14, $0xb8;
	[tilespmem:$0x8800] =	vst v63  }
0x21: {  	_ =	swait.ge [sflag:s12], $0x1000  }
0x22: {  	s19 =	simm.s32 $0x400;
	s18 =	simm.s32 $0x200;
	[sflag:s12] =	ssyncset.done $0x0  }
.LBB2_2:
0x23: {  	s20 =	sshra.s32 s18, $0x2  }
0x24: {  	[sflag:s12] =	ssyncadd.s32 $0xFFFFF000;
	s18 =	smov.u32 s19;
	s21 =	sadd.s32 $0x200, s19  }
0x25: {  	[tilespmem:s15], [sflag:$0x1] =	stream.indirect.gather [hbm4b:s4+s14], $0x20, s20, s14, $0xb8;
	[tilespmem:$0x8800] =	vst v63  }
0x26: {  	p0 =	sne.s32 s19, $0x4E00;
	_ =	swait.ge [sflag:s16], $0x1000  }
.Ltmp0:
0x27: {  	[sflag:s16] =	ssyncset.done $0x0;
	(pc) =	sbr.rel @p0 .LBB2_2-.Ltmp0, $4  }
0x28: {  	s19 =	sadd.s32 $0x1400, s20;
	[sflag:s16] =	ssyncadd.s32 $0xFFFFF000  }
0x29: {  	[spmem:s2] =	stream.indirect.scatter.add.f32 [tilespmem:s15], [sflag:$0x2], $0x20, s19, s14, $0xb8;
	[tilespmem:$0x8800] =	vst v63  }
0x2a: {  	_ =	swait.ge [sflag:s12], $0x1000  }
0x2b: {  	s19 =	smov.u32 s21;
	[sflag:s12] =	ssyncset.done $0x0  }
0x2c: {  	s18 =	sshra.s32 s18, $0x2;
	[sflag:s12] =	ssyncadd.s32 $0xFFFFF000  }
0x2d: {  	[tilespmem:s15], [sflag:$0x1] =	stream.indirect.gather [hbm4b:s4+s14], $0x20, s18, s14, $0xb8;
	[tilespmem:$0x8800] =	vst v63  }
0x2e: {  	_ =	swait.ge [sflag:s16], $0x1000  }
0x2f: {  	[sflag:s16] =	ssyncset.done $0x0  }
0x30: {  	s18 =	sadd.s32 $0x1400, s18;
	[sflag:s16] =	ssyncadd.s32 $0xFFFFF000  }
0x31: {  	[spmem:s2] =	stream.indirect.scatter.add.f32 [tilespmem:s15], [sflag:$0x2], $0x20, s18, s14, $0xb8;
	[tilespmem:$0x8800] =	vst v63  }
0x32: {  	_ =	swait.ge [sflag:s12], $0x1000  }
0x33: {  	s17 =	sadd.s32 $0x1, s17;
	[sflag:s12] =	ssyncset.done $0x0  }
0x34: {  	p0 =	sne.s32 s17, s10;
	[sflag:s12] =	ssyncadd.s32 $0xFFFFF000  }
.Ltmp1:
0x35: {  	[bflag:$0x0] =	sbarrier.arrive $0xFFFF;
	(pc) =	sbr.rel @p0 .LBB2_1-.Ltmp1, $4  }
0x36: {  	[hbm:s9], [sflag:s6] =	dma.local [spmem:s11], $0xA00  }
0x37: {  	_ =	swait.ge [sflag:s12], $0xA00  }
0x38: {  	[sflag:s12] =	ssyncset.done $0x0  }
0x39: {  	[sflag:s12] =	ssyncadd.s32 $0xFFFFF600  }
0x3a: {  	_ =	sfence.sel $0x180000  }
0x3b: {  	[bflag:$0x0] =	sbarrier.arrive $0xFFFF  }
0x3c: {  	p0 =	sne.s32 s0, $0x0;
	_ =	strace $0x9000004A  }
0x3d: {  	s0 =	sadd.s32 @!p0 $0x100000, s1;
	[bflag:$0x2] =	sbarrier.arrive $0xFFFF  }
0x3e: {  	[sflag:s0] =	ssyncadd.tile.s32 @!p0 $0x1;
	_ =	shalt  }
.Lfunc_end2:
_tile_overlayer_lowered:
.L_overlay_start_2:
0x3f: {  	(tag) =	ssettag $0x2  }
0x40: {  	s0 =	rddreg [dreg:$0x0];
	s2 =	stileid.u32  }
0x41: {  	s1 =	rddreg [dreg:$0x1];
	p0 =	sne.s32 s2, $0x0  }
0x42: {  	s3 =	rddreg [dreg:$0x2];
	[bflag:$0x3] =	sbarrier.arrive $0xFFFF;
	s2 =	simm.s32 @!p0 $0x1C02  }
0x43: {  	[timem:s3], [sflag:s2] =	dma.local @!p0 [hbm:s0], s1  }
0x44: {  	s0 =	simm.s32 @!p0 $0x2  }
0x45: {  	_ =	swait.ge @!p0 [sflag:s0], s1  }
0x46: {  	s1 =	ssub.s32 @!p0 $0x0, s1;
	[sflag:s0] =	ssyncset.done @!p0 $0x0  }
0x47: {  	[sflag:s0] =	ssyncadd.s32 @!p0 s1  }
0x48: {  	[bflag:$0x3] =	sbarrier.arrive $0xFFFF  }
0x49: {  	_ =	shalt  }

// kernel: kernel.19.cloned.1.call-start
scs
__scs_entry_jumppad:
0x0: {  	(pc) =	sbr.rel $0x88, $3  }
0x1: {  	(tag) =	ssettag $0x0;
	lr =	simm.s32 $0x1  }
0x2: {  	[smem:$0x3F9B] =	sst lr;
	_ =	strace $0xD0000000  }
0x3: {  	_ = 	snop  }
0x4: {  	_ = 	snop  }
0x5: {  	_ = 	snop  }
0x6: {  	_ = 	snop  }
0x7: {  	_ = 	snop  }
__scs_overlays_trampoline_lowered:
0x8: {  	[smem:$0x3FAA] =	sst s0  }
0x9: {  	[smem:$0x3FAB] =	sst s1  }
0xa: {  	[smem:$0x3FAC] =	sst s2  }
0xb: {  	[smem:$0x3FAD] =	sst s3  }
0xc: {  	[smem:$0x3FAE] =	sst s4  }
0xd: {  	[smem:$0x3FAF] =	sst s5  }
0xe: {  	[smem:$0x3FB0] =	sst s6  }
0xf: {  	[smem:$0x3FB1] =	sst s7  }
0x10: {  	[smem:$0x3FB2] =	sst s8  }
0x11: {  	[smem:$0x3FB3] =	sst s9;
	s0 =	simm.s32 @!p0 $0x0  }
0x12: {  	s1 =	sld [smem:$0x3F99];
	s0 =	simm.s32 @p0 $0x1  }
0x13: {  	[smem:$0x3FB4] =	sst s0;
	s0 =	simm.s32 @!p1 $0x0  }
0x14: {  	s2 =	sld [smem:$0x3F98];
	s0 =	simm.s32 @p1 $0x1  }
0x15: {  	[smem:$0x3FB5] =	sst s0;
	s0 =	simm.s32 @!p2 $0x0  }
0x16: {  	s3 =	sld [smem:$0x3FDB];
	s0 =	simm.s32 @p2 $0x1  }
0x17: {  	s4 =	simm.s32 $0x1BF5;
	[smem:$0x3FB7] =	sst s0  }
0x18: {  	s0 =	sld [smem:$0x3F9A];
	_ =	swait.ge [sflag:s4], $0x0  }
0x19: {  	s7 =	sld [smem:$0x3F9B]  }
0x1a: {  	s8 =	sadd.s32 $0xFFFFE003, lr  }
0x1b: {  	s9 =	sadd.s32 $0xFFFFFEF7, lr;
	s5 =	simm.s32 $0xFFFFFFFF;
	p2 =	slt.u32 s8, $0xFFFFF086  }
0x1c: {  	p1 =	slt.u32 s9, $0xF7A;
	s5 =	simm.s32 @!p2 $0x0  }
0x1d: {  	s5 =	simm.s32 @p1 $0x1;
	p0 =	seq.s32 s7, s2  }
0x1e: {  	s7 =	smul.u32 @!p0 $0xF7A, s2;
	p2 =	seq.s32 @!p0 s5, $0x0  }
0x1f: {  	s9 =	smul.u32 $0xF7A, s1;
	s8 =	simm.s32 @!p0 $0x1BF5;
	p2 =	por !p2, p0  }
0x20: {  	[sflag:s8] =	ssyncset.s32 @!p0 $0xFFFFF086;
	s6 =	sadd.s32 @!p0 s3, s7;
	s7 =	simm.s32 @!p0 $0x108  }
0x21: {  	s3 =	sadd.s32 s3, s9;
	s6 =	sadd.s32 @!p0 $0x88, s6;
	s7 =	simm.s32 @p2 $0x1082  }
0x22: {  	[simem:s7], [sflag:s8] =	dma.local @!p0 [hbm:s6], $0xF7A  }
0x23: {  	s9 =	sor.u32 $0xD0000000, s2;
	s6 =	simm.s32 $0x108;
	_ =	swait.ge @!p0 [sflag:s8], $0x0  }
0x24: {  	s3 =	sadd.s32 $0x88, s3;
	s6 =	simm.s32 @!p1 $0x1082;
	[sflag:s4] =	ssyncset.s32 $0xFFFFF086  }
0x25: {  	[simem:s6], [sflag:s4] =	dma.local [hbm:s3], $0xF7A  }
0x26: {  	[smem:$0x3F9B] =	sst s1;
	(tag) =	ssettag s2;
	_ =	strace s9  }
0x27: {  	s1 =	sld [smem:$0x3FAB]  }
0x28: {  	s2 =	sld [smem:$0x3FAC]  }
0x29: {  	s4 =	sld [smem:$0x3FAE]  }
0x2a: {  	p0 =	seq.s32 s5, $0x0;
	s5 =	sld [smem:$0x3FAF]  }
0x2b: {  	s6 =	sld [smem:$0x3FB0]  }
0x2c: {  	s7 =	sld [smem:$0x3FB1]  }
0x2d: {  	s3 =	simm.s32 $0x108;
	s8 =	sld [smem:$0x3FB2]  }
0x2e: {  	s3 =	simm.s32 @!p0 $0x1082;
	s9 =	sld [smem:$0x3FB3]  }
0x2f: {  	lr =	sadd.s32 s0, s3;
	s0 =	sld [smem:$0x3FAA]  }
0x30: {  	s3 =	sld [smem:$0x3FAD]  }
0x31: {  	[smem:$0x3FB6] =	sst s10  }
0x32: {  	s10 =	sld [smem:$0x3FB4];
	_ =	sdelay $0x3  }
0x33: {  	p0 =	seq.s32 s10, $0x1;
	s10 =	sld [smem:$0x3FB6];
	_ =	sdelay $0x3  }
0x34: {  	[smem:$0x3FB6] =	sst s10  }
0x35: {  	s10 =	sld [smem:$0x3FB5];
	_ =	sdelay $0x3  }
0x36: {  	p1 =	seq.s32 s10, $0x1;
	s10 =	sld [smem:$0x3FB6];
	_ =	sdelay $0x3  }
0x37: {  	[smem:$0x3FB6] =	sst s10  }
0x38: {  	s10 =	sld [smem:$0x3FB7]  }
0x39: {  	_ = 	snop;
	(pc) =	sbr.ind lr, $3  }
0x3a: {  	_ = 	snop  }
0x3b: {  	_ = 	snop  }
0x3c: {  	p2 =	seq.s32 s10, $0x1;
	s10 =	sld [smem:$0x3FB6]  }
0x3d: {  	_ =	shalt  }
0x3e: {  	_ =	shalt  }
0x3f: {  	_ =	shalt  }
0x40: {  	_ =	shalt  }
0x41: {  	_ =	shalt  }
0x42: {  	_ =	shalt  }
0x43: {  	_ =	shalt  }
0x44: {  	_ =	shalt  }
0x45: {  	_ =	shalt  }
0x46: {  	_ =	shalt  }
0x47: {  	_ =	shalt  }
0x48: {  	_ =	shalt  }
0x49: {  	_ =	shalt  }
0x4a: {  	_ =	shalt  }
0x4b: {  	_ =	shalt  }
0x4c: {  	_ =	shalt  }
0x4d: {  	_ =	shalt  }
0x4e: {  	_ =	shalt  }
0x4f: {  	_ =	shalt  }
0x50: {  	_ =	shalt  }
0x51: {  	_ =	shalt  }
0x52: {  	_ =	shalt  }
0x53: {  	_ =	shalt  }
0x54: {  	_ =	shalt  }
0x55: {  	_ =	shalt  }
0x56: {  	_ =	shalt  }
0x57: {  	_ =	shalt  }
0x58: {  	_ =	shalt  }
0x59: {  	_ =	shalt  }
0x5a: {  	_ =	shalt  }
0x5b: {  	_ =	shalt  }
0x5c: {  	_ =	shalt  }
0x5d: {  	_ =	shalt  }
0x5e: {  	_ =	shalt  }
0x5f: {  	_ =	shalt  }
0x60: {  	_ =	shalt  }
0x61: {  	_ =	shalt  }
0x62: {  	_ =	shalt  }
0x63: {  	_ =	shalt  }
0x64: {  	_ =	shalt  }
0x65: {  	_ =	shalt  }
0x66: {  	_ =	shalt  }
0x67: {  	_ =	shalt  }
0x68: {  	_ =	shalt  }
0x69: {  	_ =	shalt  }
0x6a: {  	_ =	shalt  }
0x6b: {  	_ =	shalt  }
0x6c: {  	_ =	shalt  }
0x6d: {  	_ =	shalt  }
0x6e: {  	_ =	shalt  }
0x6f: {  	_ =	shalt  }
0x70: {  	_ =	shalt  }
0x71: {  	_ =	shalt  }
0x72: {  	_ =	shalt  }
0x73: {  	_ =	shalt  }
0x74: {  	_ =	shalt  }
0x75: {  	_ =	shalt  }
0x76: {  	_ =	shalt  }
0x77: {  	_ =	shalt  }
0x78: {  	_ =	shalt  }
0x79: {  	_ =	shalt  }
0x7a: {  	_ =	shalt  }
0x7b: {  	_ =	shalt  }
0x7c: {  	_ =	shalt  }
0x7d: {  	_ =	shalt  }
0x7e: {  	_ =	shalt  }
0x7f: {  	_ =	shalt  }
0x80: {  	_ =	shalt  }
0x81: {  	_ =	shalt  }
0x82: {  	_ =	shalt  }
0x83: {  	_ =	shalt  }
0x84: {  	_ =	shalt  }
0x85: {  	_ =	shalt  }
0x86: {  	_ =	shalt  }
0x87: {  	_ =	shalt  }
.Lfunc_end0:
.L_simem_size_0:
called_computation.2_lowered:
.L_overlay_start_0:
0x88: {  	s2 =	sld [smem:$0x3FD9]  }
0x89: {  	s3 =	sld [smem:$0x3FFE];
	_ =	sdelay $0x1  }
0x8a: {  	s1 =	srdreg.scid  }
0x8b: {  	s0 =	sand.u32 $0x1, s1  }
0x8c: {  	s16 =	sshll.u32 s0, $0xA;
	s2 =	sadd.s32 s3, s2  }
0x8d: {  	s2 =	sadd.s32 s2, s16  }
0x8e: {  	[smem:$0x3FC2] =	sst s2  }
0x8f: {  	_ = 	snop  }
0x90: {  	(tm) =	ssettm $0x1  }
0x91: {  	s17 =	sld [smem:$0x3FFB];
	_ =	sdelay $0x3  }
0x92: {  	_ =	strace s17  }
0x93: {  	s2 =	sld [smem:$0x3FFC];
	_ =	sdelay $0x3  }
0x94: {  	_ =	strace s2  }
0x95: {  	s2 =	sld [smem:$0x3FFD];
	_ =	sdelay $0x3  }
0x96: {  	_ =	strace s2  }
0x97: {  	_ =	strace $0x8FFFFFFF  }
0x98: {  	s18 =	sld [smem:$0x3FDB];
	_ =	sdelay $0x1  }
0x99: {  	s19 =	simm.s32 $_scs_section_size  }
0x9a: {  	s4 =	simm.s32 $_size__tile_overlayer_lowered;
	s5 =	simm.s32 $_tile_overlayer_lowered  }
0x9b: {  	s22 =	simm.s32 $0x1BFF;
	s21 =	sshll.u32 s5, $0x1;
	s2 =	sadd.s32 s19, s18  }
0x9c: {  	s6 =	simm.s32 $0x0;
	s20 =	sshll.u32 s4, $0x1;
	s4 =	sadd.s32 s21, s2  }
0x9d: {  	[timem:s6], [sflag:s22] =	dma.local [hbm:s4], s20  }
0x9e: {  	_ =	swait.ge [sflag:s22], s20  }
0x9f: {  	s3 =	ssub.s32 $0x0, s20;
	[sflag:s22] =	ssyncset.done $0x0  }
0xa0: {  	[sflag:s22] =	ssyncadd.s32 s3;
	_ =	sdelay $0x1  }
0xa1: {  	s23 =	simm.s32 $0x1B8B  }
0xa2: {  	_ =	swait.ge [sflag:s23], $0x1  }
0xa3: {  	[sflag:s23] =	ssyncset.done $0x0  }
0xa4: {  	s25 =	simm.s32 $0x1B8E;
	s24 =	sld [smem:$0x3FFE];
	[sflag:s23] =	ssyncadd.s32 $0xFFFFFFFF  }
0xa5: {  	s26 =	simm.s32 $execute0_lowered;
	[smem:$0x3FD2] =	sst s25  }
0xa6: {  	s4 =	sshll.u32 s26, $0x1;
	_ =	strace $0x8000004C;
	[dreg:$0x1] =	wrdreg $0xFFFFFFFF  }
0xa7: {  	s28 =	simm.s32 $_size_execute0_lowered;
	s2 =	sadd.s32 s2, s4;
	[dreg:$0x0] =	wrdreg $0x0  }
0xa8: {  	s4 =	sshll.u32 s28, $0x1;
	[dreg:$0x2] =	wrdreg s2  }
0xa9: {  	[dreg:$0x3] =	wrdreg s4  }
0xaa: {  	[dreg:$0x4] =	wrdreg $0xC0  }
0xab: {  	_ =	task [dreg:s6], $0x5FFFF  }
0xac: {  	[dreg:$0x1] =	wrdreg $0xFFFFFFFF  }
0xad: {  	[dreg:$0x0] =	wrdreg $0x60  }
0xae: {  	[dreg:$0x2] =	wrdreg s24  }
0xaf: {  	[dreg:$0x3] =	wrdreg $0x38000  }
0xb0: {  	[dreg:$0x4] =	wrdreg $0x9  }
0xb1: {  	_ =	task.clear_ibuf [dreg:s6], $0x5FFFF;
	_ =	strace $0x9000004C  }
0xb2: {  	s29 =	simm.s32 $0x9;
	_ =	strace $0x8000004E  }
0xb3: {  	_ =	swait.ge [sflag:s29], $0x1  }
0xb4: {  	[sflag:s29] =	ssyncadd.s32 $0xFFFFFFFF  }
0xb5: {  	_ =	strace $0x9000004E  }
0xb6: {  	_ =	sfence  }
0xb7: {  	s30 =	sld [smem:$0x0];
	_ =	sdelay $0x2  }
0xb8: {  	s31 =	sshll.u32 s1, $0xD;
	s1 =	sshrl.u32 s1, $0x2  }
0xb9: {  	s3 =	sand.u32 $0x4000, s31;
	s1 =	sadd.s32 s1, s30  }
0xba: {  	s0 =	sor.u32 s3, s0;
	s1 =	sshll.u32 s1, $0x11  }
0xbb: {  	s0 =	sor.u32 s1, s0  }
0xbc: {  	s0 =	sadd.s32 $0x8F2B, s0  }
0xbd: {  	[sflag:s0] =	ssyncadd.remote.s32 $0x1  }
0xbe: {  	_ =	sfence.sel $0xFFFF  }
0xbf: {  	[dreg:$0x0] =	wrdreg $0xFFFFFFFF;
	(pc) =	sbr.abs _section_cstart, $3  }
0xc0: {  	[dreg:$0x1] =	wrdreg $0xFFFFFFFF  }
0xc1: {  	_ =	task.clear_ibuf [dreg:s6], $0x2FFFF;
	_ =	strace $0x9FFFFFFF  }
0xc2: {  	(tm) =	ssettm $0x7FFFFFFF  }
0xc3: {  	_ =	shalt  }
tec
execute0_lowered:
.L_overlay_start_1:
0x0: {  	(tag) =	ssettag $0x1  }
0x1: {  	s6 =	rddreg [dreg:$0x0]  }
0x2: {  	s0 =	srdreg.scid;
	s2 =	rddreg [dreg:$0x1]  }
0x3: {  	s3 =	simm.s32 $0x0;
	s14 =	simm.s32 $0x80;
	s15 =	simm.s32 $0x2800  }
0x4: {  	s16 =	simm.s32 $0x1;
	s5 =	sand.u32 $0x1, s0;
	s0 =	stileid.u32  }
0x5: {  	s17 =	simm.s32 $0x0;
	[smem:$0x7FF] =	sst s3;
	s8 =	smul.u32 $0x5000, s0  }
0x6: {  	s4 =	sadd.s32 $0x6800, s6;
	s1 =	sshll.u32 s5, $0x4;
	s9 =	smul.u32 $0x50000, s5  }
0x7: {  	s5 =	ssub.s32 $0x2, s5;
	s31 =	sshll.u32 s0, $0x6;
	s1 =	sor.u32 s0, s1  }
0x8: {  	s11 =	sshrl.u32 s5, $0x1;
	s7 =	smul.u32 $0x280, s1;
	s1 =	rddreg [dreg:$0x2]  }
0x9: {  	_ =	strace $0x8000004D;
	s29 =	sadd.s32 s8, s9;
	s30 =	sshrl.u32 s8, $0x3  }
0xa: {  	s11 =	ssub.s32 s5, s11;
	s13 =	sadd.s32 s8, s2;
	s9 =	sadd.s32 s30, s6  }
0xb: {  	s10 =	sadd.s32 s7, s6;
	s7 =	sshrl.u32 s29, $0x3;
	s5 =	sadd.s32 $0x1A800, s9  }
0xc: {  	s12 =	sadd.s32 s7, s6;
	s6 =	sor.u32 $0x1C02, s31;
	s7 =	sadd.s32 $0x1800, s10  }
0xd: {  	s8 =	sadd.s32 $0x15800, s10;
	s10 =	smax.u32 s11, $0x1;
	s11 =	sshrl.u32 s13, $0x3  }
0xe: {  	s13 =	simm.s32 $0x1400;
	s9 =	sadd.s32 $0x24800, s12;
	s12 =	simm.s32 $0x2  }
.LBB2_1:
0xf: {  	[spmem:s11], [sflag:s6] =	dma.local [hbm:s5], $0xA00  }
0x10: {  	_ =	swait.ge [sflag:s12], $0xA00  }
0x11: {  	[sflag:s12] =	ssyncset.done $0x0  }
0x12: {  	[sflag:s12] =	ssyncadd.s32 $0xFFFFF600  }
0x13: {  	[tilespmem:s13], [sflag:$0x2] =	stream.linear.gather [hbm4b:s7+s3], $0x1400, $0x38;
	[tilespmem:$0x8800] =	vst v63  }
0x14: {  	_ =	swait.ge [sflag:s12], $0x1400  }
0x15: {  	[sflag:s12] =	ssyncset.done $0x0  }
0x16: {  	[sflag:s12] =	ssyncadd.s32 $0xFFFFEC00  }
0x17: {  	[tilespmem:s3], [sflag:$0x2] =	stream.linear.gather [hbm4b:s8+s3], $0x1400, $0x38;
	[tilespmem:$0x8800] =	vst v63  }
0x18: {  	_ =	swait.ge [sflag:s12], $0x1400  }
0x19: {  	[sflag:s12] =	ssyncset.done $0x0  }
0x1a: {  	[sflag:s12] =	ssyncadd.s32 $0xFFFFEC00  }
0x1b: {  	s18 =	simm.s32 $0x0;
	[bflag:$0x0] =	sbarrier.arrive $0xFFFF  }
0x1c: {  	[tilespmem:s15], [sflag:$0x1] =	stream.indirect.gather [hbm4b:s4+s14], $0x20, s18, s14, $0xb8;
	[tilespmem:$0x8800] =	vst v63  }
0x1d: {  	_ =	swait.ge [sflag:s16], $0x1000  }
0x1e: {  	[sflag:s16] =	ssyncset.done $0x0  }
0x1f: {  	s31 =	simm.s32 $0x1400;
	[sflag:s16] =	ssyncadd.s32 $0xFFFFF000  }
0x20: {  	[spmem:s2] =	stream.indirect.scatter.add.f32 [tilespmem:s15], [sflag:$0x2], $0x20, s31, s14, $0xb8;
	[tilespmem:$0x8800] =	vst v63  }
0x21: {  	_ =	swait.ge [sflag:s12], $0x1000  }
0x22: {  	s19 =	simm.s32 $0x400;
	s18 =	simm.s32 $0x200;
	[sflag:s12] =	ssyncset.done $0x0  }
.LBB2_2:
0x23: {  	s20 =	sshra.s32 s18, $0x2  }
0x24: {  	[sflag:s12] =	ssyncadd.s32 $0xFFFFF000;
	s18 =	smov.u32 s19;
	s21 =	sadd.s32 $0x200, s19  }
0x25: {  	[tilespmem:s15], [sflag:$0x1] =	stream.indirect.gather [hbm4b:s4+s14], $0x20, s20, s14, $0xb8;
	[tilespmem:$0x8800] =	vst v63  }
0x26: {  	p0 =	sne.s32 s19, $0x4E00;
	_ =	swait.ge [sflag:s16], $0x1000  }
.Ltmp0:
0x27: {  	[sflag:s16] =	ssyncset.done $0x0;
	(pc) =	sbr.rel @p0 .LBB2_2-.Ltmp0, $4  }
0x28: {  	s19 =	sadd.s32 $0x1400, s20;
	[sflag:s16] =	ssyncadd.s32 $0xFFFFF000  }
0x29: {  	[spmem:s2] =	stream.indirect.scatter.add.f32 [tilespmem:s15], [sflag:$0x2], $0x20, s19, s14, $0xb8;
	[tilespmem:$0x8800] =	vst v63  }
0x2a: {  	_ =	swait.ge [sflag:s12], $0x1000  }
0x2b: {  	s19 =	smov.u32 s21;
	[sflag:s12] =	ssyncset.done $0x0  }
0x2c: {  	s18 =	sshra.s32 s18, $0x2;
	[sflag:s12] =	ssyncadd.s32 $0xFFFFF000  }
0x2d: {  	[tilespmem:s15], [sflag:$0x1] =	stream.indirect.gather [hbm4b:s4+s14], $0x20, s18, s14, $0xb8;
	[tilespmem:$0x8800] =	vst v63  }
0x2e: {  	_ =	swait.ge [sflag:s16], $0x1000  }
0x2f: {  	[sflag:s16] =	ssyncset.done $0x0  }
0x30: {  	s18 =	sadd.s32 $0x1400, s18;
	[sflag:s16] =	ssyncadd.s32 $0xFFFFF000  }
0x31: {  	[spmem:s2] =	stream.indirect.scatter.add.f32 [tilespmem:s15], [sflag:$0x2], $0x20, s18, s14, $0xb8;
	[tilespmem:$0x8800] =	vst v63  }
0x32: {  	_ =	swait.ge [sflag:s12], $0x1000  }
0x33: {  	s17 =	sadd.s32 $0x1, s17;
	[sflag:s12] =	ssyncset.done $0x0  }
0x34: {  	p0 =	sne.s32 s17, s10;
	[sflag:s12] =	ssyncadd.s32 $0xFFFFF000  }
.Ltmp1:
0x35: {  	[bflag:$0x0] =	sbarrier.arrive $0xFFFF;
	(pc) =	sbr.rel @p0 .LBB2_1-.Ltmp1, $4  }
0x36: {  	[hbm:s9], [sflag:s6] =	dma.local [spmem:s11], $0xA00  }
0x37: {  	_ =	swait.ge [sflag:s12], $0xA00  }
0x38: {  	[sflag:s12] =	ssyncset.done $0x0  }
0x39: {  	[sflag:s12] =	ssyncadd.s32 $0xFFFFF600  }
0x3a: {  	_ =	sfence.sel $0x180000  }
0x3b: {  	[bflag:$0x0] =	sbarrier.arrive $0xFFFF  }
0x3c: {  	p0 =	sne.s32 s0, $0x0;
	_ =	strace $0x9000004D  }
0x3d: {  	s0 =	sadd.s32 @!p0 $0x100000, s1;
	[bflag:$0x2] =	sbarrier.arrive $0xFFFF  }
0x3e: {  	[sflag:s0] =	ssyncadd.tile.s32 @!p0 $0x1;
	_ =	shalt  }
.Lfunc_end2:
_tile_overlayer_lowered:
.L_overlay_start_2:
0x3f: {  	(tag) =	ssettag $0x2  }
0x40: {  	s0 =	rddreg [dreg:$0x0];
	s2 =	stileid.u32  }
0x41: {  	s1 =	rddreg [dreg:$0x1];
	p0 =	sne.s32 s2, $0x0  }
0x42: {  	s3 =	rddreg [dreg:$0x2];
	[bflag:$0x3] =	sbarrier.arrive $0xFFFF;
	s2 =	simm.s32 @!p0 $0x1C02  }
0x43: {  	[timem:s3], [sflag:s2] =	dma.local @!p0 [hbm:s0], s1  }
0x44: {  	s0 =	simm.s32 @!p0 $0x2  }
0x45: {  	_ =	swait.ge @!p0 [sflag:s0], s1  }
0x46: {  	s1 =	ssub.s32 @!p0 $0x0, s1;
	[sflag:s0] =	ssyncset.done @!p0 $0x0  }
0x47: {  	[sflag:s0] =	ssyncadd.s32 @!p0 s1  }
0x48: {  	[bflag:$0x3] =	sbarrier.arrive $0xFFFF  }
0x49: {  	_ =	shalt  }

// kernel: kernel.22.cloned.1.call-start
scs
__scs_entry_jumppad:
0x0: {  	(pc) =	sbr.rel $0x88, $3  }
0x1: {  	(tag) =	ssettag $0x0;
	lr =	simm.s32 $0x1  }
0x2: {  	[smem:$0x3F9B] =	sst lr;
	_ =	strace $0xD0000000  }
0x3: {  	_ = 	snop  }
0x4: {  	_ = 	snop  }
0x5: {  	_ = 	snop  }
0x6: {  	_ = 	snop  }
0x7: {  	_ = 	snop  }
__scs_overlays_trampoline_lowered:
0x8: {  	[smem:$0x3FAA] =	sst s0  }
0x9: {  	[smem:$0x3FAB] =	sst s1  }
0xa: {  	[smem:$0x3FAC] =	sst s2  }
0xb: {  	[smem:$0x3FAD] =	sst s3  }
0xc: {  	[smem:$0x3FAE] =	sst s4  }
0xd: {  	[smem:$0x3FAF] =	sst s5  }
0xe: {  	[smem:$0x3FB0] =	sst s6  }
0xf: {  	[smem:$0x3FB1] =	sst s7  }
0x10: {  	[smem:$0x3FB2] =	sst s8  }
0x11: {  	[smem:$0x3FB3] =	sst s9;
	s0 =	simm.s32 @!p0 $0x0  }
0x12: {  	s1 =	sld [smem:$0x3F99];
	s0 =	simm.s32 @p0 $0x1  }
0x13: {  	[smem:$0x3FB4] =	sst s0;
	s0 =	simm.s32 @!p1 $0x0  }
0x14: {  	s2 =	sld [smem:$0x3F98];
	s0 =	simm.s32 @p1 $0x1  }
0x15: {  	[smem:$0x3FB5] =	sst s0;
	s0 =	simm.s32 @!p2 $0x0  }
0x16: {  	s3 =	sld [smem:$0x3FDB];
	s0 =	simm.s32 @p2 $0x1  }
0x17: {  	s4 =	simm.s32 $0x1BF5;
	[smem:$0x3FB7] =	sst s0  }
0x18: {  	s0 =	sld [smem:$0x3F9A];
	_ =	swait.ge [sflag:s4], $0x0  }
0x19: {  	s7 =	sld [smem:$0x3F9B]  }
0x1a: {  	s8 =	sadd.s32 $0xFFFFE003, lr  }
0x1b: {  	s9 =	sadd.s32 $0xFFFFFEF7, lr;
	s5 =	simm.s32 $0xFFFFFFFF;
	p2 =	slt.u32 s8, $0xFFFFF086  }
0x1c: {  	p1 =	slt.u32 s9, $0xF7A;
	s5 =	simm.s32 @!p2 $0x0  }
0x1d: {  	s5 =	simm.s32 @p1 $0x1;
	p0 =	seq.s32 s7, s2  }
0x1e: {  	s7 =	smul.u32 @!p0 $0xF7A, s2;
	p2 =	seq.s32 @!p0 s5, $0x0  }
0x1f: {  	s9 =	smul.u32 $0xF7A, s1;
	s8 =	simm.s32 @!p0 $0x1BF5;
	p2 =	por !p2, p0  }
0x20: {  	[sflag:s8] =	ssyncset.s32 @!p0 $0xFFFFF086;
	s6 =	sadd.s32 @!p0 s3, s7;
	s7 =	simm.s32 @!p0 $0x108  }
0x21: {  	s3 =	sadd.s32 s3, s9;
	s6 =	sadd.s32 @!p0 $0x88, s6;
	s7 =	simm.s32 @p2 $0x1082  }
0x22: {  	[simem:s7], [sflag:s8] =	dma.local @!p0 [hbm:s6], $0xF7A  }
0x23: {  	s9 =	sor.u32 $0xD0000000, s2;
	s6 =	simm.s32 $0x108;
	_ =	swait.ge @!p0 [sflag:s8], $0x0  }
0x24: {  	s3 =	sadd.s32 $0x88, s3;
	s6 =	simm.s32 @!p1 $0x1082;
	[sflag:s4] =	ssyncset.s32 $0xFFFFF086  }
0x25: {  	[simem:s6], [sflag:s4] =	dma.local [hbm:s3], $0xF7A  }
0x26: {  	[smem:$0x3F9B] =	sst s1;
	(tag) =	ssettag s2;
	_ =	strace s9  }
0x27: {  	s1 =	sld [smem:$0x3FAB]  }
0x28: {  	s2 =	sld [smem:$0x3FAC]  }
0x29: {  	s4 =	sld [smem:$0x3FAE]  }
0x2a: {  	p0 =	seq.s32 s5, $0x0;
	s5 =	sld [smem:$0x3FAF]  }
0x2b: {  	s6 =	sld [smem:$0x3FB0]  }
0x2c: {  	s7 =	sld [smem:$0x3FB1]  }
0x2d: {  	s3 =	simm.s32 $0x108;
	s8 =	sld [smem:$0x3FB2]  }
0x2e: {  	s3 =	simm.s32 @!p0 $0x1082;
	s9 =	sld [smem:$0x3FB3]  }
0x2f: {  	lr =	sadd.s32 s0, s3;
	s0 =	sld [smem:$0x3FAA]  }
0x30: {  	s3 =	sld [smem:$0x3FAD]  }
0x31: {  	[smem:$0x3FB6] =	sst s10  }
0x32: {  	s10 =	sld [smem:$0x3FB4];
	_ =	sdelay $0x3  }
0x33: {  	p0 =	seq.s32 s10, $0x1;
	s10 =	sld [smem:$0x3FB6];
	_ =	sdelay $0x3  }
0x34: {  	[smem:$0x3FB6] =	sst s10  }
0x35: {  	s10 =	sld [smem:$0x3FB5];
	_ =	sdelay $0x3  }
0x36: {  	p1 =	seq.s32 s10, $0x1;
	s10 =	sld [smem:$0x3FB6];
	_ =	sdelay $0x3  }
0x37: {  	[smem:$0x3FB6] =	sst s10  }
0x38: {  	s10 =	sld [smem:$0x3FB7]  }
0x39: {  	_ = 	snop;
	(pc) =	sbr.ind lr, $3  }
0x3a: {  	_ = 	snop  }
0x3b: {  	_ = 	snop  }
0x3c: {  	p2 =	seq.s32 s10, $0x1;
	s10 =	sld [smem:$0x3FB6]  }
0x3d: {  	_ =	shalt  }
0x3e: {  	_ =	shalt  }
0x3f: {  	_ =	shalt  }
0x40: {  	_ =	shalt  }
0x41: {  	_ =	shalt  }
0x42: {  	_ =	shalt  }
0x43: {  	_ =	shalt  }
0x44: {  	_ =	shalt  }
0x45: {  	_ =	shalt  }
0x46: {  	_ =	shalt  }
0x47: {  	_ =	shalt  }
0x48: {  	_ =	shalt  }
0x49: {  	_ =	shalt  }
0x4a: {  	_ =	shalt  }
0x4b: {  	_ =	shalt  }
0x4c: {  	_ =	shalt  }
0x4d: {  	_ =	shalt  }
0x4e: {  	_ =	shalt  }
0x4f: {  	_ =	shalt  }
0x50: {  	_ =	shalt  }
0x51: {  	_ =	shalt  }
0x52: {  	_ =	shalt  }
0x53: {  	_ =	shalt  }
0x54: {  	_ =	shalt  }
0x55: {  	_ =	shalt  }
0x56: {  	_ =	shalt  }
0x57: {  	_ =	shalt  }
0x58: {  	_ =	shalt  }
0x59: {  	_ =	shalt  }
0x5a: {  	_ =	shalt  }
0x5b: {  	_ =	shalt  }
0x5c: {  	_ =	shalt  }
0x5d: {  	_ =	shalt  }
0x5e: {  	_ =	shalt  }
0x5f: {  	_ =	shalt  }
0x60: {  	_ =	shalt  }
0x61: {  	_ =	shalt  }
0x62: {  	_ =	shalt  }
0x63: {  	_ =	shalt  }
0x64: {  	_ =	shalt  }
0x65: {  	_ =	shalt  }
0x66: {  	_ =	shalt  }
0x67: {  	_ =	shalt  }
0x68: {  	_ =	shalt  }
0x69: {  	_ =	shalt  }
0x6a: {  	_ =	shalt  }
0x6b: {  	_ =	shalt  }
0x6c: {  	_ =	shalt  }
0x6d: {  	_ =	shalt  }
0x6e: {  	_ =	shalt  }
0x6f: {  	_ =	shalt  }
0x70: {  	_ =	shalt  }
0x71: {  	_ =	shalt  }
0x72: {  	_ =	shalt  }
0x73: {  	_ =	shalt  }
0x74: {  	_ =	shalt  }
0x75: {  	_ =	shalt  }
0x76: {  	_ =	shalt  }
0x77: {  	_ =	shalt  }
0x78: {  	_ =	shalt  }
0x79: {  	_ =	shalt  }
0x7a: {  	_ =	shalt  }
0x7b: {  	_ =	shalt  }
0x7c: {  	_ =	shalt  }
0x7d: {  	_ =	shalt  }
0x7e: {  	_ =	shalt  }
0x7f: {  	_ =	shalt  }
0x80: {  	_ =	shalt  }
0x81: {  	_ =	shalt  }
0x82: {  	_ =	shalt  }
0x83: {  	_ =	shalt  }
0x84: {  	_ =	shalt  }
0x85: {  	_ =	shalt  }
0x86: {  	_ =	shalt  }
0x87: {  	_ =	shalt  }
.Lfunc_end0:
.L_simem_size_0:
called_computation.3_lowered:
.L_overlay_start_0:
0x88: {  	s2 =	sld [smem:$0x3FD9]  }
0x89: {  	s3 =	sld [smem:$0x3FFE];
	_ =	sdelay $0x1  }
0x8a: {  	s1 =	srdreg.scid  }
0x8b: {  	s0 =	sand.u32 $0x1, s1  }
0x8c: {  	s16 =	sshll.u32 s0, $0xA;
	s2 =	sadd.s32 s3, s2  }
0x8d: {  	s2 =	sadd.s32 s2, s16  }
0x8e: {  	[smem:$0x3FC2] =	sst s2  }
0x8f: {  	_ = 	snop  }
0x90: {  	(tm) =	ssettm $0x1  }
0x91: {  	s17 =	sld [smem:$0x3FFB];
	_ =	sdelay $0x3  }
0x92: {  	_ =	strace s17  }
0x93: {  	s2 =	sld [smem:$0x3FFC];
	_ =	sdelay $0x3  }
0x94: {  	_ =	strace s2  }
0x95: {  	s2 =	sld [smem:$0x3FFD];
	_ =	sdelay $0x3  }
0x96: {  	_ =	strace s2  }
0x97: {  	_ =	strace $0x8FFFFFFF  }
0x98: {  	s18 =	sld [smem:$0x3FDB];
	_ =	sdelay $0x1  }
0x99: {  	s19 =	simm.s32 $_scs_section_size  }
0x9a: {  	s4 =	simm.s32 $_size__tile_overlayer_lowered;
	s5 =	simm.s32 $_tile_overlayer_lowered  }
0x9b: {  	s22 =	simm.s32 $0x1BFF;
	s21 =	sshll.u32 s5, $0x1;
	s2 =	sadd.s32 s19, s18  }
0x9c: {  	s6 =	simm.s32 $0x0;
	s20 =	sshll.u32 s4, $0x1;
	s4 =	sadd.s32 s21, s2  }
0x9d: {  	[timem:s6], [sflag:s22] =	dma.local [hbm:s4], s20  }
0x9e: {  	_ =	swait.ge [sflag:s22], s20  }
0x9f: {  	s3 =	ssub.s32 $0x0, s20;
	[sflag:s22] =	ssyncset.done $0x0  }
0xa0: {  	[sflag:s22] =	ssyncadd.s32 s3;
	_ =	sdelay $0x1  }
0xa1: {  	s23 =	simm.s32 $0x1B8B  }
0xa2: {  	_ =	swait.ge [sflag:s23], $0x1  }
0xa3: {  	[sflag:s23] =	ssyncset.done $0x0  }
0xa4: {  	s25 =	simm.s32 $0x1B8E;
	s24 =	sld [smem:$0x3FFE];
	[sflag:s23] =	ssyncadd.s32 $0xFFFFFFFF  }
0xa5: {  	s26 =	simm.s32 $execute0_lowered;
	[smem:$0x3FD2] =	sst s25  }
0xa6: {  	s4 =	sshll.u32 s26, $0x1;
	_ =	strace $0x8000004F;
	[dreg:$0x1] =	wrdreg $0xFFFFFFFF  }
0xa7: {  	s28 =	simm.s32 $_size_execute0_lowered;
	s2 =	sadd.s32 s2, s4;
	[dreg:$0x0] =	wrdreg $0x0  }
0xa8: {  	s4 =	sshll.u32 s28, $0x1;
	[dreg:$0x2] =	wrdreg s2  }
0xa9: {  	[dreg:$0x3] =	wrdreg s4  }
0xaa: {  	[dreg:$0x4] =	wrdreg $0xC0  }
0xab: {  	_ =	task [dreg:s6], $0x5FFFF  }
0xac: {  	[dreg:$0x1] =	wrdreg $0xFFFFFFFF  }
0xad: {  	[dreg:$0x0] =	wrdreg $0x60  }
0xae: {  	[dreg:$0x2] =	wrdreg s24  }
0xaf: {  	[dreg:$0x3] =	wrdreg $0x48000  }
0xb0: {  	[dreg:$0x4] =	wrdreg $0x9  }
0xb1: {  	_ =	task.clear_ibuf [dreg:s6], $0x5FFFF;
	_ =	strace $0x9000004F  }
0xb2: {  	s29 =	simm.s32 $0x9;
	_ =	strace $0x80000051  }
0xb3: {  	_ =	swait.ge [sflag:s29], $0x1  }
0xb4: {  	[sflag:s29] =	ssyncadd.s32 $0xFFFFFFFF  }
0xb5: {  	_ =	strace $0x90000051  }
0xb6: {  	_ =	sfence  }
0xb7: {  	s30 =	sld [smem:$0x0];
	_ =	sdelay $0x2  }
0xb8: {  	s31 =	sshll.u32 s1, $0xD;
	s1 =	sshrl.u32 s1, $0x2  }
0xb9: {  	s3 =	sand.u32 $0x4000, s31;
	s1 =	sadd.s32 s1, s30  }
0xba: {  	s0 =	sor.u32 s3, s0;
	s1 =	sshll.u32 s1, $0x11  }
0xbb: {  	s0 =	sor.u32 s1, s0  }
0xbc: {  	s0 =	sadd.s32 $0x8F2B, s0  }
0xbd: {  	[sflag:s0] =	ssyncadd.remote.s32 $0x1  }
0xbe: {  	_ =	sfence.sel $0xFFFF  }
0xbf: {  	[dreg:$0x0] =	wrdreg $0xFFFFFFFF;
	(pc) =	sbr.abs _section_cstart, $3  }
0xc0: {  	[dreg:$0x1] =	wrdreg $0xFFFFFFFF  }
0xc1: {  	_ =	task.clear_ibuf [dreg:s6], $0x2FFFF;
	_ =	strace $0x9FFFFFFF  }
0xc2: {  	(tm) =	ssettm $0x7FFFFFFF  }
0xc3: {  	_ =	shalt  }
tec
execute0_lowered:
.L_overlay_start_1:
0x0: {  	(tag) =	ssettag $0x1  }
0x1: {  	s6 =	rddreg [dreg:$0x0]  }
0x2: {  	s0 =	srdreg.scid;
	s2 =	rddreg [dreg:$0x1]  }
0x3: {  	s3 =	simm.s32 $0x0;
	s14 =	simm.s32 $0x80;
	s15 =	simm.s32 $0x2800  }
0x4: {  	s16 =	simm.s32 $0x1;
	s5 =	sand.u32 $0x1, s0;
	s0 =	stileid.u32  }
0x5: {  	s17 =	simm.s32 $0x0;
	[smem:$0x7FF] =	sst s3;
	s8 =	smul.u32 $0xA000, s0  }
0x6: {  	s4 =	sadd.s32 $0x1A800, s6;
	s1 =	sshll.u32 s5, $0x4;
	s9 =	smul.u32 $0xA0000, s5  }
0x7: {  	s5 =	ssub.s32 $0x2, s5;
	s31 =	sshll.u32 s0, $0x6;
	s1 =	sor.u32 s0, s1  }
0x8: {  	s11 =	sshrl.u32 s5, $0x1;
	s7 =	smul.u32 $0x280, s1;
	s1 =	rddreg [dreg:$0x2]  }
0x9: {  	_ =	strace $0x80000050;
	s29 =	sadd.s32 s8, s9;
	s30 =	sshrl.u32 s8, $0x3  }
0xa: {  	s11 =	ssub.s32 s5, s11;
	s13 =	sadd.s32 s8, s2;
	s9 =	sadd.s32 s30, s6  }
0xb: {  	s10 =	sadd.s32 s7, s6;
	s7 =	sshrl.u32 s29, $0x3;
	s5 =	sadd.s32 $0x2E800, s9  }
0xc: {  	s12 =	sadd.s32 s7, s6;
	s6 =	sor.u32 $0x1C02, s31;
	s7 =	sadd.s32 $0x1800, s10  }
0xd: {  	s8 =	sadd.s32 $0x15800, s10;
	s10 =	smax.u32 s11, $0x1;
	s11 =	sshrl.u32 s13, $0x3  }
0xe: {  	s13 =	simm.s32 $0x1400;
	s9 =	sadd.s32 $0x42800, s12;
	s12 =	simm.s32 $0x2  }
.LBB2_1:
0xf: {  	[spmem:s11], [sflag:s6] =	dma.local [hbm:s5], $0x1400  }
0x10: {  	_ =	swait.ge [sflag:s12], $0x1400  }
0x11: {  	[sflag:s12] =	ssyncset.done $0x0  }
0x12: {  	[sflag:s12] =	ssyncadd.s32 $0xFFFFEC00  }
0x13: {  	[tilespmem:s13], [sflag:$0x2] =	stream.linear.gather [hbm4b:s7+s3], $0x1400, $0x38;
	[tilespmem:$0xE800] =	vst v63  }
0x14: {  	_ =	swait.ge [sflag:s12], $0x1400  }
0x15: {  	[sflag:s12] =	ssyncset.done $0x0  }
0x16: {  	[sflag:s12] =	ssyncadd.s32 $0xFFFFEC00  }
0x17: {  	[tilespmem:s3], [sflag:$0x2] =	stream.linear.gather [hbm4b:s8+s3], $0x1400, $0x38;
	[tilespmem:$0xE800] =	vst v63  }
0x18: {  	_ =	swait.ge [sflag:s12], $0x1400  }
0x19: {  	[sflag:s12] =	ssyncset.done $0x0  }
0x1a: {  	[sflag:s12] =	ssyncadd.s32 $0xFFFFEC00  }
0x1b: {  	s18 =	simm.s32 $0x0;
	[bflag:$0x0] =	sbarrier.arrive $0xFFFF  }
0x1c: {  	[tilespmem:s15], [sflag:$0x1] =	stream.indirect.gather [hbm4b:s4+s14], $0x40, s18, s14, $0xb8;
	[tilespmem:$0xE800] =	vst v63  }
0x1d: {  	_ =	swait.ge [sflag:s16], $0x2000  }
0x1e: {  	[sflag:s16] =	ssyncset.done $0x0  }
0x1f: {  	s31 =	simm.s32 $0x1400;
	[sflag:s16] =	ssyncadd.s32 $0xFFFFE000  }
0x20: {  	[spmem:s2] =	stream.indirect.scatter.add.f32 [tilespmem:s15], [sflag:$0x2], $0x40, s31, s14, $0xb8;
	[tilespmem:$0xE800] =	vst v63  }
0x21: {  	_ =	swait.ge [sflag:s12], $0x2000  }
0x22: {  	s19 =	simm.s32 $0x400;
	s18 =	simm.s32 $0x200;
	[sflag:s12] =	ssyncset.done $0x0  }
.LBB2_2:
0x23: {  	s20 =	sshra.s32 s18, $0x2  }
0x24: {  	[sflag:s12] =	ssyncadd.s32 $0xFFFFE000;
	s18 =	smov.u32 s19;
	s21 =	sadd.s32 $0x200, s19  }
0x25: {  	[tilespmem:s15], [sflag:$0x1] =	stream.indirect.gather [hbm4b:s4+s14], $0x40, s20, s14, $0xb8;
	[tilespmem:$0xE800] =	vst v63  }
0x26: {  	p0 =	sne.s32 s19, $0x4E00;
	_ =	swait.ge [sflag:s16], $0x2000  }
.Ltmp0:
0x27: {  	[sflag:s16] =	ssyncset.done $0x0;
	(pc) =	sbr.rel @p0 .LBB2_2-.Ltmp0, $4  }
0x28: {  	s19 =	sadd.s32 $0x1400, s20;
	[sflag:s16] =	ssyncadd.s32 $0xFFFFE000  }
0x29: {  	[spmem:s2] =	stream.indirect.scatter.add.f32 [tilespmem:s15], [sflag:$0x2], $0x40, s19, s14, $0xb8;
	[tilespmem:$0xE800] =	vst v63  }
0x2a: {  	_ =	swait.ge [sflag:s12], $0x2000  }
0x2b: {  	s19 =	smov.u32 s21;
	[sflag:s12] =	ssyncset.done $0x0  }
0x2c: {  	s18 =	sshra.s32 s18, $0x2;
	[sflag:s12] =	ssyncadd.s32 $0xFFFFE000  }
0x2d: {  	[tilespmem:s15], [sflag:$0x1] =	stream.indirect.gather [hbm4b:s4+s14], $0x40, s18, s14, $0xb8;
	[tilespmem:$0xE800] =	vst v63  }
0x2e: {  	_ =	swait.ge [sflag:s16], $0x2000  }
0x2f: {  	[sflag:s16] =	ssyncset.done $0x0  }
0x30: {  	s18 =	sadd.s32 $0x1400, s18;
	[sflag:s16] =	ssyncadd.s32 $0xFFFFE000  }
0x31: {  	[spmem:s2] =	stream.indirect.scatter.add.f32 [tilespmem:s15], [sflag:$0x2], $0x40, s18, s14, $0xb8;
	[tilespmem:$0xE800] =	vst v63  }
0x32: {  	_ =	swait.ge [sflag:s12], $0x2000  }
0x33: {  	s17 =	sadd.s32 $0x1, s17;
	[sflag:s12] =	ssyncset.done $0x0  }
0x34: {  	p0 =	sne.s32 s17, s10;
	[sflag:s12] =	ssyncadd.s32 $0xFFFFE000  }
.Ltmp1:
0x35: {  	[bflag:$0x0] =	sbarrier.arrive $0xFFFF;
	(pc) =	sbr.rel @p0 .LBB2_1-.Ltmp1, $4  }
0x36: {  	[hbm:s9], [sflag:s6] =	dma.local [spmem:s11], $0x1400  }
0x37: {  	_ =	swait.ge [sflag:s12], $0x1400  }
0x38: {  	[sflag:s12] =	ssyncset.done $0x0  }
0x39: {  	[sflag:s12] =	ssyncadd.s32 $0xFFFFEC00  }
0x3a: {  	_ =	sfence.sel $0x180000  }
0x3b: {  	[bflag:$0x0] =	sbarrier.arrive $0xFFFF  }
0x3c: {  	p0 =	sne.s32 s0, $0x0;
	_ =	strace $0x90000050  }
0x3d: {  	s0 =	sadd.s32 @!p0 $0x100000, s1;
	[bflag:$0x2] =	sbarrier.arrive $0xFFFF  }
0x3e: {  	[sflag:s0] =	ssyncadd.tile.s32 @!p0 $0x1;
	_ =	shalt  }
.Lfunc_end2:
_tile_overlayer_lowered:
.L_overlay_start_2:
0x3f: {  	(tag) =	ssettag $0x2  }
0x40: {  	s0 =	rddreg [dreg:$0x0];
	s2 =	stileid.u32  }
0x41: {  	s1 =	rddreg [dreg:$0x1];
	p0 =	sne.s32 s2, $0x0  }
0x42: {  	s3 =	rddreg [dreg:$0x2];
	[bflag:$0x3] =	sbarrier.arrive $0xFFFF;
	s2 =	simm.s32 @!p0 $0x1C02  }
0x43: {  	[timem:s3], [sflag:s2] =	dma.local @!p0 [hbm:s0], s1  }
0x44: {  	s0 =	simm.s32 @!p0 $0x2  }
0x45: {  	_ =	swait.ge @!p0 [sflag:s0], s1  }
0x46: {  	s1 =	ssub.s32 @!p0 $0x0, s1;
	[sflag:s0] =	ssyncset.done @!p0 $0x0  }
0x47: {  	[sflag:s0] =	ssyncadd.s32 @!p0 s1  }
0x48: {  	[bflag:$0x3] =	sbarrier.arrive $0xFFFF  }
0x49: {  	_ =	shalt  }

// kernel: kernel.25.cloned.1.call-start
scs
__scs_entry_jumppad:
0x0: {  	(pc) =	sbr.rel $0x88, $3  }
0x1: {  	(tag) =	ssettag $0x0;
	lr =	simm.s32 $0x1  }
0x2: {  	[smem:$0x3F9B] =	sst lr;
	_ =	strace $0xD0000000  }
0x3: {  	_ = 	snop  }
0x4: {  	_ = 	snop  }
0x5: {  	_ = 	snop  }
0x6: {  	_ = 	snop  }
0x7: {  	_ = 	snop  }
__scs_overlays_trampoline_lowered:
0x8: {  	[smem:$0x3FAA] =	sst s0  }
0x9: {  	[smem:$0x3FAB] =	sst s1  }
0xa: {  	[smem:$0x3FAC] =	sst s2  }
0xb: {  	[smem:$0x3FAD] =	sst s3  }
0xc: {  	[smem:$0x3FAE] =	sst s4  }
0xd: {  	[smem:$0x3FAF] =	sst s5  }
0xe: {  	[smem:$0x3FB0] =	sst s6  }
0xf: {  	[smem:$0x3FB1] =	sst s7  }
0x10: {  	[smem:$0x3FB2] =	sst s8  }
0x11: {  	[smem:$0x3FB3] =	sst s9;
	s0 =	simm.s32 @!p0 $0x0  }
0x12: {  	s1 =	sld [smem:$0x3F99];
	s0 =	simm.s32 @p0 $0x1  }
0x13: {  	[smem:$0x3FB4] =	sst s0;
	s0 =	simm.s32 @!p1 $0x0  }
0x14: {  	s2 =	sld [smem:$0x3F98];
	s0 =	simm.s32 @p1 $0x1  }
0x15: {  	[smem:$0x3FB5] =	sst s0;
	s0 =	simm.s32 @!p2 $0x0  }
0x16: {  	s3 =	sld [smem:$0x3FDB];
	s0 =	simm.s32 @p2 $0x1  }
0x17: {  	s4 =	simm.s32 $0x1BF5;
	[smem:$0x3FB7] =	sst s0  }
0x18: {  	s0 =	sld [smem:$0x3F9A];
	_ =	swait.ge [sflag:s4], $0x0  }
0x19: {  	s7 =	sld [smem:$0x3F9B]  }
0x1a: {  	s8 =	sadd.s32 $0xFFFFE003, lr  }
0x1b: {  	s9 =	sadd.s32 $0xFFFFFEF7, lr;
	s5 =	simm.s32 $0xFFFFFFFF;
	p2 =	slt.u32 s8, $0xFFFFF086  }
0x1c: {  	p1 =	slt.u32 s9, $0xF7A;
	s5 =	simm.s32 @!p2 $0x0  }
0x1d: {  	s5 =	simm.s32 @p1 $0x1;
	p0 =	seq.s32 s7, s2  }
0x1e: {  	s7 =	smul.u32 @!p0 $0xF7A, s2;
	p2 =	seq.s32 @!p0 s5, $0x0  }
0x1f: {  	s9 =	smul.u32 $0xF7A, s1;
	s8 =	simm.s32 @!p0 $0x1BF5;
	p2 =	por !p2, p0  }
0x20: {  	[sflag:s8] =	ssyncset.s32 @!p0 $0xFFFFF086;
	s6 =	sadd.s32 @!p0 s3, s7;
	s7 =	simm.s32 @!p0 $0x108  }
0x21: {  	s3 =	sadd.s32 s3, s9;
	s6 =	sadd.s32 @!p0 $0x88, s6;
	s7 =	simm.s32 @p2 $0x1082  }
0x22: {  	[simem:s7], [sflag:s8] =	dma.local @!p0 [hbm:s6], $0xF7A  }
0x23: {  	s9 =	sor.u32 $0xD0000000, s2;
	s6 =	simm.s32 $0x108;
	_ =	swait.ge @!p0 [sflag:s8], $0x0  }
0x24: {  	s3 =	sadd.s32 $0x88, s3;
	s6 =	simm.s32 @!p1 $0x1082;
	[sflag:s4] =	ssyncset.s32 $0xFFFFF086  }
0x25: {  	[simem:s6], [sflag:s4] =	dma.local [hbm:s3], $0xF7A  }
0x26: {  	[smem:$0x3F9B] =	sst s1;
	(tag) =	ssettag s2;
	_ =	strace s9  }
0x27: {  	s1 =	sld [smem:$0x3FAB]  }
0x28: {  	s2 =	sld [smem:$0x3FAC]  }
0x29: {  	s4 =	sld [smem:$0x3FAE]  }
0x2a: {  	p0 =	seq.s32 s5, $0x0;
	s5 =	sld [smem:$0x3FAF]  }
0x2b: {  	s6 =	sld [smem:$0x3FB0]  }
0x2c: {  	s7 =	sld [smem:$0x3FB1]  }
0x2d: {  	s3 =	simm.s32 $0x108;
	s8 =	sld [smem:$0x3FB2]  }
0x2e: {  	s3 =	simm.s32 @!p0 $0x1082;
	s9 =	sld [smem:$0x3FB3]  }
0x2f: {  	lr =	sadd.s32 s0, s3;
	s0 =	sld [smem:$0x3FAA]  }
0x30: {  	s3 =	sld [smem:$0x3FAD]  }
0x31: {  	[smem:$0x3FB6] =	sst s10  }
0x32: {  	s10 =	sld [smem:$0x3FB4];
	_ =	sdelay $0x3  }
0x33: {  	p0 =	seq.s32 s10, $0x1;
	s10 =	sld [smem:$0x3FB6];
	_ =	sdelay $0x3  }
0x34: {  	[smem:$0x3FB6] =	sst s10  }
0x35: {  	s10 =	sld [smem:$0x3FB5];
	_ =	sdelay $0x3  }
0x36: {  	p1 =	seq.s32 s10, $0x1;
	s10 =	sld [smem:$0x3FB6];
	_ =	sdelay $0x3  }
0x37: {  	[smem:$0x3FB6] =	sst s10  }
0x38: {  	s10 =	sld [smem:$0x3FB7]  }
0x39: {  	_ = 	snop;
	(pc) =	sbr.ind lr, $3  }
0x3a: {  	_ = 	snop  }
0x3b: {  	_ = 	snop  }
0x3c: {  	p2 =	seq.s32 s10, $0x1;
	s10 =	sld [smem:$0x3FB6]  }
0x3d: {  	_ =	shalt  }
0x3e: {  	_ =	shalt  }
0x3f: {  	_ =	shalt  }
0x40: {  	_ =	shalt  }
0x41: {  	_ =	shalt  }
0x42: {  	_ =	shalt  }
0x43: {  	_ =	shalt  }
0x44: {  	_ =	shalt  }
0x45: {  	_ =	shalt  }
0x46: {  	_ =	shalt  }
0x47: {  	_ =	shalt  }
0x48: {  	_ =	shalt  }
0x49: {  	_ =	shalt  }
0x4a: {  	_ =	shalt  }
0x4b: {  	_ =	shalt  }
0x4c: {  	_ =	shalt  }
0x4d: {  	_ =	shalt  }
0x4e: {  	_ =	shalt  }
0x4f: {  	_ =	shalt  }
0x50: {  	_ =	shalt  }
0x51: {  	_ =	shalt  }
0x52: {  	_ =	shalt  }
0x53: {  	_ =	shalt  }
0x54: {  	_ =	shalt  }
0x55: {  	_ =	shalt  }
0x56: {  	_ =	shalt  }
0x57: {  	_ =	shalt  }
0x58: {  	_ =	shalt  }
0x59: {  	_ =	shalt  }
0x5a: {  	_ =	shalt  }
0x5b: {  	_ =	shalt  }
0x5c: {  	_ =	shalt  }
0x5d: {  	_ =	shalt  }
0x5e: {  	_ =	shalt  }
0x5f: {  	_ =	shalt  }
0x60: {  	_ =	shalt  }
0x61: {  	_ =	shalt  }
0x62: {  	_ =	shalt  }
0x63: {  	_ =	shalt  }
0x64: {  	_ =	shalt  }
0x65: {  	_ =	shalt  }
0x66: {  	_ =	shalt  }
0x67: {  	_ =	shalt  }
0x68: {  	_ =	shalt  }
0x69: {  	_ =	shalt  }
0x6a: {  	_ =	shalt  }
0x6b: {  	_ =	shalt  }
0x6c: {  	_ =	shalt  }
0x6d: {  	_ =	shalt  }
0x6e: {  	_ =	shalt  }
0x6f: {  	_ =	shalt  }
0x70: {  	_ =	shalt  }
0x71: {  	_ =	shalt  }
0x72: {  	_ =	shalt  }
0x73: {  	_ =	shalt  }
0x74: {  	_ =	shalt  }
0x75: {  	_ =	shalt  }
0x76: {  	_ =	shalt  }
0x77: {  	_ =	shalt  }
0x78: {  	_ =	shalt  }
0x79: {  	_ =	shalt  }
0x7a: {  	_ =	shalt  }
0x7b: {  	_ =	shalt  }
0x7c: {  	_ =	shalt  }
0x7d: {  	_ =	shalt  }
0x7e: {  	_ =	shalt  }
0x7f: {  	_ =	shalt  }
0x80: {  	_ =	shalt  }
0x81: {  	_ =	shalt  }
0x82: {  	_ =	shalt  }
0x83: {  	_ =	shalt  }
0x84: {  	_ =	shalt  }
0x85: {  	_ =	shalt  }
0x86: {  	_ =	shalt  }
0x87: {  	_ =	shalt  }
.Lfunc_end0:
.L_simem_size_0:
called_computation.4_lowered:
.L_overlay_start_0:
0x88: {  	s2 =	sld [smem:$0x3FD9]  }
0x89: {  	s3 =	sld [smem:$0x3FFE];
	_ =	sdelay $0x1  }
0x8a: {  	s1 =	srdreg.scid  }
0x8b: {  	s0 =	sand.u32 $0x1, s1  }
0x8c: {  	s17 =	sshll.u32 s0, $0xA;
	s2 =	sadd.s32 s3, s2  }
0x8d: {  	s2 =	sadd.s32 s2, s17  }
0x8e: {  	[smem:$0x3FC2] =	sst s2  }
0x8f: {  	_ = 	snop  }
0x90: {  	s2 =	sld [smem:$0x3FD0];
	(tm) =	ssettm $0x1  }
0x91: {  	s18 =	sld [smem:$0x3FFB];
	_ =	sdelay $0x3  }
0x92: {  	_ =	strace s18  }
0x93: {  	s3 =	sld [smem:$0x3FFC];
	_ =	sdelay $0x3  }
0x94: {  	_ =	strace s3  }
0x95: {  	s3 =	sld [smem:$0x3FFD];
	_ =	sdelay $0x3  }
0x96: {  	_ =	strace s3  }
0x97: {  	_ =	strace $0x8FFFFFFF  }
0x98: {  	s19 =	sld [smem:$0x3FDB];
	_ =	sdelay $0x1  }
0x99: {  	s4 =	simm.s32 $_scs_section_size  }
0x9a: {  	s5 =	simm.s32 $_size__tile_overlayer_lowered;
	s6 =	simm.s32 $_tile_overlayer_lowered  }
0x9b: {  	s22 =	simm.s32 $0x1BFF;
	s21 =	sshll.u32 s6, $0x1;
	s3 =	sadd.s32 s4, s19  }
0x9c: {  	s7 =	simm.s32 $0x0;
	s20 =	sshll.u32 s5, $0x1;
	s5 =	sadd.s32 s21, s3  }
0x9d: {  	[timem:s7], [sflag:s22] =	dma.local [hbm:s5], s20  }
0x9e: {  	_ =	swait.ge [sflag:s22], s20  }
0x9f: {  	s4 =	ssub.s32 $0x0, s20;
	[sflag:s22] =	ssyncset.done $0x0  }
0xa0: {  	[sflag:s22] =	ssyncadd.s32 s4;
	_ =	sdelay $0x1  }
0xa1: {  	s23 =	simm.s32 $0x1B8B  }
0xa2: {  	_ =	swait.ge [sflag:s23], $0x1  }
0xa3: {  	[sflag:s23] =	ssyncset.done $0x0  }
0xa4: {  	s25 =	simm.s32 $0x1B8E;
	s24 =	sld [smem:$0x3FFE];
	[sflag:s23] =	ssyncadd.s32 $0xFFFFFFFF  }
0xa5: {  	s26 =	simm.s32 $execute0_lowered;
	[smem:$0x3FD2] =	sst s25  }
0xa6: {  	s5 =	sshll.u32 s26, $0x1;
	_ =	strace $0x80000052;
	[dreg:$0x1] =	wrdreg $0xFFFFFFFF  }
0xa7: {  	s28 =	simm.s32 $_size_execute0_lowered;
	s3 =	sadd.s32 s3, s5;
	[dreg:$0x0] =	wrdreg $0x0  }
0xa8: {  	s5 =	sshll.u32 s28, $0x1;
	[dreg:$0x2] =	wrdreg s3  }
0xa9: {  	[dreg:$0x3] =	wrdreg s5  }
0xaa: {  	[dreg:$0x4] =	wrdreg $0xC0  }
0xab: {  	_ =	task [dreg:s7], $0x5FFFF  }
0xac: {  	[dreg:$0x1] =	wrdreg $0xFFFFFFFF  }
0xad: {  	[dreg:$0x0] =	wrdreg $0x60  }
0xae: {  	[dreg:$0x2] =	wrdreg s24  }
0xaf: {  	[dreg:$0x3] =	wrdreg s2  }
0xb0: {  	[dreg:$0x4] =	wrdreg $0x11400  }
0xb1: {  	[dreg:$0x5] =	wrdreg $0x9  }
0xb2: {  	_ =	task.clear_ibuf [dreg:s7], $0x6FFFF;
	_ =	strace $0x90000052  }
0xb3: {  	s29 =	simm.s32 $0x9;
	_ =	strace $0x80000054  }
0xb4: {  	_ =	swait.ge [sflag:s29], $0x1  }
0xb5: {  	[sflag:s29] =	ssyncadd.s32 $0xFFFFFFFF  }
0xb6: {  	_ =	strace $0x90000054  }
0xb7: {  	_ =	sfence  }
0xb8: {  	s30 =	sld [smem:$0x0];
	_ =	sdelay $0x2  }
0xb9: {  	s31 =	sshll.u32 s1, $0xD;
	s1 =	sshrl.u32 s1, $0x2  }
0xba: {  	s3 =	sand.u32 $0x4000, s31;
	s1 =	sadd.s32 s1, s30  }
0xbb: {  	s0 =	sor.u32 s3, s0;
	s1 =	sshll.u32 s1, $0x11  }
0xbc: {  	s0 =	sor.u32 s1, s0  }
0xbd: {  	s0 =	sadd.s32 $0x8F2B, s0  }
0xbe: {  	[sflag:s0] =	ssyncadd.remote.s32 $0x1  }
0xbf: {  	_ =	sfence.sel $0xFFFF  }
0xc0: {  	[dreg:$0x0] =	wrdreg $0xFFFFFFFF;
	(pc) =	sbr.abs _section_cstart, $3  }
0xc1: {  	[dreg:$0x1] =	wrdreg $0xFFFFFFFF  }
0xc2: {  	_ =	task.clear_ibuf [dreg:s7], $0x2FFFF;
	_ =	strace $0x9FFFFFFF  }
0xc3: {  	(tm) =	ssettm $0x7FFFFFFF  }
tec
execute0_lowered:
.L_overlay_start_1:
0x0: {  	(tag) =	ssettag $0x1  }
0x1: {  	s20 =	rddreg [dreg:$0x0]  }
0x2: {  	s4 =	rddreg [dreg:$0x1]  }
0x3: {  	s2 =	rddreg [dreg:$0x2];
	s3 =	srdreg.scid  }
0x4: {  	s0 =	rddreg [dreg:$0x3];
	s1 =	stileid.u32  }
0x5: {  	s21 =	sand.u32 $0x1, s3;
	s3 =	simm.s32 $0x0;
	s22 =	smul.u32 $0xA00, s1  }
0x6: {  	s30 =	sshll.u32 s1, $0x6;
	s5 =	sshll.u32 s21, $0x4;
	[smem:$0x7FF] =	sst s3  }
0x7: {  	s8 =	sor.u32 s1, s5;
	_ =	strace $0x80000053;
	s29 =	sshrl.u32 s22, $0x3  }
0x8: {  	s6 =	sadd.s32 s22, s2;
	s5 =	sor.u32 $0x1C02, s30;
	s9 =	smul.u32 $0x28, s8  }
0x9: {  	s4 =	sadd.s32 s4, s29;
	s7 =	sshrl.u32 s6, $0x3;
	s6 =	simm.s32 $0x2  }
0xa: {  	[spmem:s7], [sflag:s5] =	dma.local [hbm:s4], $0x140  }
0xb: {  	_ =	swait.ge [sflag:s6], $0x140  }
0xc: {  	s9 =	sadd.s32 s9, s20;
	[sflag:s6] =	ssyncset.done $0x0  }
0xd: {  	s10 =	smul.u32 $0xA00, s8;
	s8 =	sadd.s32 $0x6800, s9;
	[sflag:s6] =	ssyncadd.s32 $0xFFFFFEC0  }
0xe: {  	[tilespmem:s3], [sflag:$0x2] =	stream.linear.gather [hbm4b:s8+s3], $0x140, $0x38;
	[tilespmem:$0x1B40] =	vst v63  }
0xf: {  	_ =	swait.ge [sflag:s6], $0x140  }
0x10: {  	[sflag:s6] =	ssyncset.done $0x0  }
0x11: {  	s11 =	simm.s32 $0x1;
	s18 =	sadd.s32 s10, s20;
	[sflag:s6] =	ssyncadd.s32 $0xFFFFFEC0  }
0x12: {  	s10 =	simm.s32 $0x140;
	s9 =	sadd.s32 $0x6E00, s18;
	[bflag:$0x0] =	sbarrier.arrive $0xFFFF  }
0x13: {  	[tilespmem:s10], [sflag:$0x1] =	stream.linear.gather [hbm4b:s9+s3], $0x1000, $0x38;
	[tilespmem:$0x1B40] =	vst v63  }
0x14: {  	_ =	swait.ge [sflag:s11], $0x1000  }
0x15: {  	[sflag:s11] =	ssyncset.done $0x0  }
0x16: {  	s12 =	simm.s32 $0x40;
	[sflag:s11] =	ssyncadd.s32 $0xFFFFF000  }
0x17: {  	[spmem:s2] =	stream.indirect.scatter.add.f32 [tilespmem:s10], [sflag:$0x2], $0x40, s3, s12, $0xb8;
	[tilespmem:$0x1B40] =	vst v63  }
0x18: {  	_ =	swait.ge [sflag:s6], $0x1000  }
0x19: {  	[sflag:s6] =	ssyncset.done $0x0  }
0x1a: {  	s13 =	sadd.s32 $0x7000, s18;
	[sflag:s6] =	ssyncadd.s32 $0xFFFFF000  }
0x1b: {  	[tilespmem:s10], [sflag:$0x1] =	stream.linear.gather [hbm4b:s13+s3], $0x1000, $0x38;
	[tilespmem:$0x1B40] =	vst v63  }
0x1c: {  	_ =	swait.ge [sflag:s11], $0x1000  }
0x1d: {  	[sflag:s11] =	ssyncset.done $0x0  }
0x1e: {  	[sflag:s11] =	ssyncadd.s32 $0xFFFFF000  }
0x1f: {  	[spmem:s2] =	stream.indirect.scatter.add.f32 [tilespmem:s10], [sflag:$0x2], $0x40, s12, s12, $0xb8;
	[tilespmem:$0x1B40] =	vst v63  }
0x20: {  	_ =	swait.ge [sflag:s6], $0x1000  }
0x21: {  	[sflag:s6] =	ssyncset.done $0x0  }
0x22: {  	s14 =	sadd.s32 $0x7200, s18;
	[sflag:s6] =	ssyncadd.s32 $0xFFFFF000  }
0x23: {  	[tilespmem:s10], [sflag:$0x1] =	stream.linear.gather [hbm4b:s14+s3], $0x1000, $0x38;
	[tilespmem:$0x1B40] =	vst v63  }
0x24: {  	_ =	swait.ge [sflag:s11], $0x1000  }
0x25: {  	[sflag:s11] =	ssyncset.done $0x0  }
0x26: {  	s15 =	simm.s32 $0x80;
	[sflag:s11] =	ssyncadd.s32 $0xFFFFF000  }
0x27: {  	[spmem:s2] =	stream.indirect.scatter.add.f32 [tilespmem:s10], [sflag:$0x2], $0x40, s15, s12, $0xb8;
	[tilespmem:$0x1B40] =	vst v63  }
0x28: {  	_ =	swait.ge [sflag:s6], $0x1000  }
0x29: {  	[sflag:s6] =	ssyncset.done $0x0  }
0x2a: {  	s16 =	sadd.s32 $0x7400, s18;
	[sflag:s6] =	ssyncadd.s32 $0xFFFFF000  }
0x2b: {  	[tilespmem:s10], [sflag:$0x1] =	stream.linear.gather [hbm4b:s16+s3], $0x1000, $0x38;
	[tilespmem:$0x1B40] =	vst v63  }
0x2c: {  	_ =	swait.ge [sflag:s11], $0x1000  }
0x2d: {  	[sflag:s11] =	ssyncset.done $0x0  }
0x2e: {  	s17 =	simm.s32 $0xC0;
	[sflag:s11] =	ssyncadd.s32 $0xFFFFF000  }
0x2f: {  	[spmem:s2] =	stream.indirect.scatter.add.f32 [tilespmem:s10], [sflag:$0x2], $0x40, s17, s12, $0xb8;
	[tilespmem:$0x1B40] =	vst v63  }
0x30: {  	_ =	swait.ge [sflag:s6], $0x1000  }
0x31: {  	[sflag:s6] =	ssyncset.done $0x0  }
0x32: {  	s18 =	sadd.s32 $0x7600, s18;
	[sflag:s6] =	ssyncadd.s32 $0xFFFFF000  }
0x33: {  	[tilespmem:s10], [sflag:$0x1] =	stream.linear.gather [hbm4b:s18+s3], $0x1000, $0x38;
	[tilespmem:$0x1B40] =	vst v63  }
0x34: {  	s23 =	smul.u32 $0xA000, s21;
	s21 =	ssub.s32 $0x2, s21;
	_ =	swait.ge [sflag:s11], $0x1000  }
0x35: {  	s31 =	sshrl.u32 s21, $0x1;
	[sflag:s11] =	ssyncset.done $0x0  }
0x36: {  	s19 =	simm.s32 $0x100;
	s21 =	ssub.s32 s21, s31;
	[sflag:s11] =	ssyncadd.s32 $0xFFFFF000  }
0x37: {  	[spmem:s2] =	stream.indirect.scatter.add.f32 [tilespmem:s10], [sflag:$0x2], $0x40, s19, s12, $0xb8;
	[tilespmem:$0x1B40] =	vst v63  }
0x38: {  	s22 =	sadd.s32 s22, s23;
	s21 =	smax.u32 s21, $0x1;
	_ =	swait.ge [sflag:s6], $0x1000  }
0x39: {  	s22 =	sshrl.u32 s22, $0x3;
	p0 =	sne.s32 s21, $0x1;
	[sflag:s6] =	ssyncset.done $0x0  }
.Ltmp0:
0x3a: {  	s20 =	sadd.s32 s22, s20;
	[sflag:s6] =	ssyncadd.s32 $0xFFFFF000;
	(pc) =	sbr.rel @!p0 .LBB2_2-.Ltmp0, $4  }
0x3b: {  	s20 =	sadd.s32 $0x1800, s20;
	[bflag:$0x0] =	sbarrier.arrive $0xFFFF  }
0x3c: {  	[hbm:s20], [sflag:s5] =	dma.local [spmem:s7], $0x140  }
0x3d: {  	_ =	swait.ge [sflag:s6], $0x140  }
0x3e: {  	s21 =	sadd.s32 $0xFFFFFFFF, s21;
	[sflag:s6] =	ssyncset.done $0x0  }
.LBB2_1:
0x3f: {  	p0 =	sne.s32 s21, $0x1;
	s21 =	sadd.s32 $0xFFFFFFFF, s21;
	[sflag:s6] =	ssyncadd.s32 $0xFFFFFEC0  }
0x40: {  	[spmem:s7], [sflag:s5] =	dma.local [hbm:s4], $0x140  }
0x41: {  	_ =	swait.ge [sflag:s6], $0x140  }
0x42: {  	[sflag:s6] =	ssyncset.done $0x0  }
0x43: {  	[sflag:s6] =	ssyncadd.s32 $0xFFFFFEC0  }
0x44: {  	[tilespmem:s3], [sflag:$0x2] =	stream.linear.gather [hbm4b:s8+s3], $0x140, $0x38;
	[tilespmem:$0x1B40] =	vst v63  }
0x45: {  	_ =	swait.ge [sflag:s6], $0x140  }
0x46: {  	[sflag:s6] =	ssyncset.done $0x0  }
0x47: {  	[sflag:s6] =	ssyncadd.s32 $0xFFFFFEC0  }
0x48: {  	[bflag:$0x0] =	sbarrier.arrive $0xFFFF  }
0x49: {  	[tilespmem:s10], [sflag:$0x1] =	stream.linear.gather [hbm4b:s9+s3], $0x1000, $0x38;
	[tilespmem:$0x1B40] =	vst v63  }
0x4a: {  	_ =	swait.ge [sflag:s11], $0x1000  }
0x4b: {  	[sflag:s11] =	ssyncset.done $0x0  }
0x4c: {  	[sflag:s11] =	ssyncadd.s32 $0xFFFFF000  }
0x4d: {  	[spmem:s2] =	stream.indirect.scatter.add.f32 [tilespmem:s10], [sflag:$0x2], $0x40, s3, s12, $0xb8;
	[tilespmem:$0x1B40] =	vst v63  }
0x4e: {  	_ =	swait.ge [sflag:s6], $0x1000  }
0x4f: {  	[sflag:s6] =	ssyncset.done $0x0  }
0x50: {  	[sflag:s6] =	ssyncadd.s32 $0xFFFFF000  }
0x51: {  	[tilespmem:s10], [sflag:$0x1] =	stream.linear.gather [hbm4b:s13+s3], $0x1000, $0x38;
	[tilespmem:$0x1B40] =	vst v63  }
0x52: {  	_ =	swait.ge [sflag:s11], $0x1000  }
0x53: {  	[sflag:s11] =	ssyncset.done $0x0  }
0x54: {  	[sflag:s11] =	ssyncadd.s32 $0xFFFFF000  }
0x55: {  	[spmem:s2] =	stream.indirect.scatter.add.f32 [tilespmem:s10], [sflag:$0x2], $0x40, s12, s12, $0xb8;
	[tilespmem:$0x1B40] =	vst v63  }
0x56: {  	_ =	swait.ge [sflag:s6], $0x1000  }
0x57: {  	[sflag:s6] =	ssyncset.done $0x0  }
0x58: {  	[sflag:s6] =	ssyncadd.s32 $0xFFFFF000  }
0x59: {  	[tilespmem:s10], [sflag:$0x1] =	stream.linear.gather [hbm4b:s14+s3], $0x1000, $0x38;
	[tilespmem:$0x1B40] =	vst v63  }
0x5a: {  	_ =	swait.ge [sflag:s11], $0x1000  }
0x5b: {  	[sflag:s11] =	ssyncset.done $0x0  }
0x5c: {  	[sflag:s11] =	ssyncadd.s32 $0xFFFFF000  }
0x5d: {  	[spmem:s2] =	stream.indirect.scatter.add.f32 [tilespmem:s10], [sflag:$0x2], $0x40, s15, s12, $0xb8;
	[tilespmem:$0x1B40] =	vst v63  }
0x5e: {  	_ =	swait.ge [sflag:s6], $0x1000  }
0x5f: {  	[sflag:s6] =	ssyncset.done $0x0  }
0x60: {  	[sflag:s6] =	ssyncadd.s32 $0xFFFFF000  }
0x61: {  	[tilespmem:s10], [sflag:$0x1] =	stream.linear.gather [hbm4b:s16+s3], $0x1000, $0x38;
	[tilespmem:$0x1B40] =	vst v63  }
0x62: {  	_ =	swait.ge [sflag:s11], $0x1000  }
0x63: {  	[sflag:s11] =	ssyncset.done $0x0  }
0x64: {  	[sflag:s11] =	ssyncadd.s32 $0xFFFFF000  }
0x65: {  	[spmem:s2] =	stream.indirect.scatter.add.f32 [tilespmem:s10], [sflag:$0x2], $0x40, s17, s12, $0xb8;
	[tilespmem:$0x1B40] =	vst v63  }
0x66: {  	_ =	swait.ge [sflag:s6], $0x1000  }
0x67: {  	[sflag:s6] =	ssyncset.done $0x0  }
0x68: {  	[sflag:s6] =	ssyncadd.s32 $0xFFFFF000  }
0x69: {  	[tilespmem:s10], [sflag:$0x1] =	stream.linear.gather [hbm4b:s18+s3], $0x1000, $0x38;
	[tilespmem:$0x1B40] =	vst v63  }
0x6a: {  	_ =	swait.ge [sflag:s11], $0x1000  }
0x6b: {  	[sflag:s11] =	ssyncset.done $0x0  }
0x6c: {  	[sflag:s11] =	ssyncadd.s32 $0xFFFFF000  }
0x6d: {  	[spmem:s2] =	stream.indirect.scatter.add.f32 [tilespmem:s10], [sflag:$0x2], $0x40, s19, s12, $0xb8;
	[tilespmem:$0x1B40] =	vst v63  }
0x6e: {  	_ =	swait.ge [sflag:s6], $0x1000  }
0x6f: {  	[sflag:s6] =	ssyncset.done $0x0  }
.Ltmp1:
0x70: {  	[sflag:s6] =	ssyncadd.s32 $0xFFFFF000;
	(pc) =	sbr.rel @p0 .LBB2_1-.Ltmp1, $4  }
0x71: {  	[bflag:$0x0] =	sbarrier.arrive $0xFFFF  }
0x72: {  	[hbm:s20], [sflag:s5] =	dma.local [spmem:s7], $0x140  }
0x73: {  	_ =	swait.ge [sflag:s6], $0x140  }
0x74: {  	[sflag:s6] =	ssyncset.done $0x0  }
.LBB2_2:
0x75: {  	[sflag:s6] =	ssyncadd.s32 $0xFFFFFEC0  }
0x76: {  	_ =	sfence.sel $0x180000  }
0x77: {  	[bflag:$0x0] =	sbarrier.arrive $0xFFFF  }
0x78: {  	p0 =	sne.s32 s1, $0x0;
	_ =	strace $0x90000053  }
0x79: {  	s0 =	sadd.s32 @!p0 $0x100000, s0;
	[bflag:$0x2] =	sbarrier.arrive $0xFFFF  }
0x7a: {  	[sflag:s0] =	ssyncadd.tile.s32 @!p0 $0x1;
	_ =	shalt  }
.Lfunc_end2:
_tile_overlayer_lowered:
.L_overlay_start_2:
0x7b: {  	(tag) =	ssettag $0x2  }
0x7c: {  	s0 =	rddreg [dreg:$0x0];
	s2 =	stileid.u32  }
0x7d: {  	s1 =	rddreg [dreg:$0x1];
	p0 =	sne.s32 s2, $0x0  }
0x7e: {  	s3 =	rddreg [dreg:$0x2];
	[bflag:$0x3] =	sbarrier.arrive $0xFFFF;
	s2 =	simm.s32 @!p0 $0x1C02  }
0x7f: {  	[timem:s3], [sflag:s2] =	dma.local @!p0 [hbm:s0], s1  }
0x80: {  	s0 =	simm.s32 @!p0 $0x2  }
0x81: {  	_ =	swait.ge @!p0 [sflag:s0], s1  }
0x82: {  	s1 =	ssub.s32 @!p0 $0x0, s1;
	[sflag:s0] =	ssyncset.done @!p0 $0x0  }
0x83: {  	[sflag:s0] =	ssyncadd.s32 @!p0 s1  }
0x84: {  	[bflag:$0x3] =	sbarrier.arrive $0xFFFF  }
0x85: {  	_ =	shalt  }

</sc_bundles>
